<compile_context>
chip_gen: v7x
topology: tpu7x:2x2x1
jax: 0.10.2.dev20260603
libtpu: 0.0.44.dev20260713+nightly
codegen_flags: <defaults>
</compile_context>

<pallas_src>
import functools
import math

import jax
import jax.numpy as jnp
from jax import lax
from jax.experimental import pallas as pl
from jax.experimental.pallas import tpu as pltpu
from jax.experimental.pallas import tpu_sc as plsc

B = 32
POOL = 2048
HID = 512
T1 = 0.8
T2 = 1.2
RATE = 0.15
MASKV = -10000.0
NV = POOL // 16


def _pow(x, p):
    return jnp.exp(p * jnp.log(x))


def _log_t(u, t):
    return (_pow(u, 1.0 - t) - 1.0) / (1.0 - t)


def _exp_t(u, t):
    return _pow(jnp.maximum(1.0 + (1.0 - t) * u, 1e-10), 1.0 / (1.0 - t))


def _new_kernel(emb_ref, w1_ref, b1_ref, ag_ref, o_ref):
    nf = lax.dot_general(emb_ref[0], w1_ref[...], (((1,), (0,)), ((), ())),
                         preferred_element_type=jnp.float32) + b1_ref[...]
    x = nf * ag_ref[0]
    o_ref[0] = jnp.sum(x, axis=1, keepdims=True) / math.sqrt(HID // 2)


def _att_kernel(a_ref, w2_ref, b2_ref, o_ref):
    o_ref[...] = lax.dot_general(a_ref[...], w2_ref[...], (((1,), (0,)), ((), ())),
                                 preferred_element_type=jnp.float32) + b2_ref[...]


def _epilogue_kernel(att_r_ref, new_r_ref, mask_r_ref, lab_ref,
                     res_ref, score_ref, nll_ref):
    res_r = jnp.where(mask_r_ref[...] == 1, MASKV,
                      att_r_ref[...] * new_r_ref[...])
    res_ref[...] = res_r

    m = jnp.max(res_r, axis=1, keepdims=True)
    e_r = jnp.exp(res_r - m)
    z_sm = jnp.sum(e_r, axis=1, keepdims=True)
    score_ref[...] = e_r / z_sm

    def exp_t12(u):
        x = jnp.maximum(1.0 + (1.0 - T2) * u, 1e-10)
        x2 = x * x
        x4 = x2 * x2
        return 1.0 / (x4 * x)

    lab = lab_ref[...] * (1.0 - RATE) + RATE / POOL
    na0 = res_r - m
    na = na0
    for _ in range(5):
        z = jnp.sum(exp_t12(na), axis=1, keepdims=True)
        na = na0 * _pow(z, 1.0 - T2)
    z = jnp.sum(exp_t12(na), axis=1, keepdims=True)
    norm = -_log_t(1.0 / z, T2) + m
    probs = exp_t12(res_r - norm)
    la = lab + 1e-10
    pa = probs + 1e-10
    la02 = _pow(la, 1.0 - T1)
    pa02 = _pow(pa, 1.0 - T1)
    l1 = lab * ((la02 - pa02) / (1.0 - T1))
    l2 = (1.0 / (2.0 - T1)) * (pa * pa02 - la * la02)
    nll_ref[...] = jnp.sum(l1 + l2, axis=(0, 1), keepdims=True)


def _sc_sort(res_hbm, score_hbm, out_s_hbm, out_i_hbm,
             stage_f, key_a, val_a, key_b, val_b, score_v,
             hist_v, base_v, run_v):
    wid = lax.axis_index("s") * 2 + lax.axis_index("c")
    pltpu.sync_copy(res_hbm.at[wid], stage_f)
    pltpu.sync_copy(score_hbm.at[wid], score_v)

    def init_body(i, c):
        f = stage_f[pl.ds(i * 16, 16)]
        bi = plsc.bitcast(f, jnp.int32)
        negm = lax.shift_right_arithmetic(bi, 31)
        asc = bi ^ (negm | jnp.int32(-2 ** 31))
        key_a[pl.ds(i * 16, 16)] = ~asc
        val_a[pl.ds(i * 16, 16)] = lax.iota(jnp.int32, 16) + i * 16
        return c
    lax.fori_loop(0, NV, init_body, 0)

    bufs = [(key_a, val_a), (key_b, val_b)]
    zero16 = jnp.zeros((16,), jnp.int32)
    for p in range(7):
        src_k, src_v = bufs[p % 2]
        dst_k, dst_v = bufs[(p + 1) % 2]
        shift = 5 * p

        hist_v[pl.ds(0, 16)] = zero16
        hist_v[pl.ds(16, 16)] = zero16

        def hist_body(i, c, src_k=src_k, shift=shift):
            k = src_k[pl.ds(i * 16, 16)]
            d = lax.shift_right_logical(k, shift) & 31
            occ, is_last = plsc.scan_count(d)
            plsc.addupdate_scatter(hist_v, [d], occ, mask=is_last)
            return c
        lax.fori_loop(0, NV, hist_body, 0)

        h0 = hist_v[pl.ds(0, 16)]
        h1 = hist_v[pl.ds(16, 16)]
        c0 = plsc.cumsum(h0)
        c1 = plsc.cumsum(h1)
        s0 = jnp.sum(h0)
        base_v[pl.ds(0, 16)] = c0 - h0
        base_v[pl.ds(16, 16)] = c1 - h1 + s0
        run_v[pl.ds(0, 16)] = zero16
        run_v[pl.ds(16, 16)] = zero16

        def perm_body(i, c, src_k=src_k, src_v=src_v, dst_k=dst_k,
                      dst_v=dst_v, shift=shift):
            k = src_k[pl.ds(i * 16, 16)]
            v = src_v[pl.ds(i * 16, 16)]
            d = lax.shift_right_logical(k, shift) & 31
            occ, is_last = plsc.scan_count(d)
            bs = plsc.load_gather(base_v, [d])
            rn = plsc.load_gather(run_v, [d])
            dst = bs + rn + occ - 1
            plsc.store_scatter(dst_k, [dst], k)
            plsc.store_scatter(dst_v, [dst], v)
            plsc.addupdate_scatter(run_v, [d], occ, mask=is_last)
            return c
        lax.fori_loop(0, NV, perm_body, 0)

    def out_body(i, c):
        idx = val_b[pl.ds(i * 16, 16)]
        sc = plsc.load_gather(score_v, [idx])
        stage_f[pl.ds(i * 16, 16)] = sc
        return c
    lax.fori_loop(0, NV, out_body, 0)
    pltpu.sync_copy(stage_f, out_s_hbm.at[wid])
    pltpu.sync_copy(val_b, out_i_hbm.at[wid])


def _run_sc_sort(res2d, score2d):
    mesh = plsc.VectorSubcoreMesh(core_axis_name="c", subcore_axis_name="s")
    f = functools.partial(
        pl.kernel,
        mesh=mesh,
        out_type=[
            jax.ShapeDtypeStruct((B, POOL), jnp.float32),
            jax.ShapeDtypeStruct((B, POOL), jnp.int32),
        ],
        scratch_types=[
            pltpu.VMEM((POOL,), jnp.float32),
            pltpu.VMEM((POOL,), jnp.int32),
            pltpu.VMEM((POOL,), jnp.int32),
            pltpu.VMEM((POOL,), jnp.int32),
            pltpu.VMEM((POOL,), jnp.int32),
            pltpu.VMEM((POOL,), jnp.float32),
            pltpu.VMEM((32,), jnp.int32),
            pltpu.VMEM((32,), jnp.int32),
            pltpu.VMEM((32,), jnp.int32),
        ],
        compiler_params=pltpu.CompilerParams(needs_layout_passes=False),
    )(_sc_sort)
    return f(res2d, score2d)


def _impl(embeddings, attention, agent_state, labels, mask_matrix,
          W1, b1, W2, b2):
    b1_2d = b1.reshape(1, HID // 2)
    b2_2d = b2.reshape(1, POOL)

    new = pl.pallas_call(
        _new_kernel,
        grid=(B,),
        in_specs=[
            pl.BlockSpec((1, POOL, HID), lambda b: (b, 0, 0)),
            pl.BlockSpec((HID, HID // 2), lambda b: (0, 0)),
            pl.BlockSpec((1, HID // 2), lambda b: (0, 0)),
            pl.BlockSpec((1, 1, HID // 2), lambda b: (b, 0, 0)),
        ],
        out_specs=pl.BlockSpec((1, POOL, 1), lambda b: (b, 0, 0)),
        out_shape=jax.ShapeDtypeStruct((B, POOL, 1), jnp.float32),
    )(embeddings, W1, b1_2d, agent_state.reshape(B, 1, HID // 2))

    att = pl.pallas_call(
        _att_kernel,
        in_specs=[
            pl.BlockSpec((B, POOL), lambda: (0, 0)),
            pl.BlockSpec((POOL, POOL), lambda: (0, 0)),
            pl.BlockSpec((1, POOL), lambda: (0, 0)),
        ],
        out_specs=pl.BlockSpec((B, POOL), lambda: (0, 0)),
        out_shape=jax.ShapeDtypeStruct((B, POOL), jnp.float32),
    )(attention, W2, b2_2d)

    new_r = new.reshape(B, POOL)

    res, score, nll = pl.pallas_call(
        _epilogue_kernel,
        in_specs=[
            pl.BlockSpec((B, POOL), lambda: (0, 0)),
            pl.BlockSpec((B, POOL), lambda: (0, 0)),
            pl.BlockSpec((B, POOL), lambda: (0, 0)),
            pl.BlockSpec((B, POOL), lambda: (0, 0)),
        ],
        out_specs=[
            pl.BlockSpec((B, POOL), lambda: (0, 0)),
            pl.BlockSpec((B, POOL), lambda: (0, 0)),
            pl.BlockSpec((1, 1), lambda: (0, 0)),
        ],
        out_shape=[
            jax.ShapeDtypeStruct((B, POOL), jnp.float32),
            jax.ShapeDtypeStruct((B, POOL), jnp.float32),
            jax.ShapeDtypeStruct((1, 1), jnp.float32),
        ],
    )(att, new_r, mask_matrix, labels)

    sorted_score, sorted_idx = _run_sc_sort(res, score)
    return (sorted_score, sorted_idx, nll[0, 0])


def kernel(embeddings, attention, agent_state, labels, mask_matrix,
           W1, b1, W2, b2):
    return _impl(embeddings, attention, agent_state, labels, mask_matrix,
                 W1, b1, W2, b2)

# --- scband reference (transcript-rebuilt; emitter-appended) ---
"""Pipeline reference for scband-knowledge-selector-79551384256745 (READ-ONLY COPY).

The authoritative reference and input builder live on the scoring server;
editing this copy changes nothing except your own understanding.
"""

import jax, jax.numpy as jnp
import numpy as np

B = 32
POOL = 2048
HID = 512
T1 = 0.8
T2 = 1.2
RATE = 0.15
MASKV = -10000.0


def log_t(u, t):
    return (u ** (1.0 - t) - 1.0) / (1.0 - t)


def exp_t(u, t):
    return jnp.maximum(1.0 + (1.0 - t) * u, 1e-10) ** (1.0 / (1.0 - t))


def compute_normalization(act, t, iters=5):
    mu = jnp.max(act, axis=-1, keepdims=True)
    na0 = act - mu
    na = na0
    for _ in range(iters):
        Z = jnp.sum(exp_t(na, t), axis=-1, keepdims=True)
        na = na0 * Z ** (1.0 - t)
    Z = jnp.sum(exp_t(na, t), axis=-1, keepdims=True)
    return -log_t(1.0 / Z, t) + mu


def tempered_softmax(act, t):
    return exp_t(act - compute_normalization(act, t), t)


def bi_tempered_logistic_loss(activations, labels, t1, t2):
    probs = tempered_softmax(activations, t2)
    l1 = labels * (log_t(labels + 1e-10, t1) - log_t(probs + 1e-10, t1))
    l2 = (1.0 / (2.0 - t1)) * (probs ** (2.0 - t1) - labels ** (2.0 - t1))
    return jnp.sum(l1 + l2, axis=-1)


def smooth_labels(labels, smoothing_rate):
    return labels * (1.0 - smoothing_rate) + smoothing_rate / labels.shape[-1]


def setup_inputs(seed: int = 0):
    key = jax.random.key(seed)
    ks = jax.random.split(key, 10)
    return {
        "embeddings": jax.random.normal(ks[0], (B, POOL, HID), jnp.float32),
        "attention": jax.random.uniform(ks[1], (B, POOL), jnp.float32),
        "agent_state": jax.random.normal(ks[2], (B, HID // 2), jnp.float32),
        "labels": jax.random.uniform(ks[3], (B, POOL), jnp.float32),
        "mask_matrix": jax.random.randint(ks[4], (B, POOL), 0, 2, jnp.int32),
        "W1": jax.random.normal(ks[5], (HID, HID // 2), jnp.float32) / np.sqrt(HID),
        "b1": jnp.zeros((HID // 2,), jnp.float32),
        "W2": jax.random.normal(ks[6], (POOL, POOL), jnp.float32) / np.sqrt(POOL),
        "b2": jnp.zeros((POOL,), jnp.float32),
    }


def reference(embeddings, attention, agent_state, labels, mask_matrix, W1, b1, W2, b2):
    # knowledge_layer: Linear(hidden -> hidden/2) over padded candidate embeddings
    new = embeddings @ W1 + b1                      # [B, N, HID/2]
    # multiplier = agent_state.unsqueeze(1); scaled dot reduction
    new = jnp.sum(agent_state[:, None, :] * new, axis=-1) / np.sqrt(HID // 2)  # [B, N]
    # knowledge_score_layer over (padded) attention; here N == base_poolsize so max_n slice is identity
    att = attention @ W2 + b2                        # [B, N]
    new = att * new
    # masked_fill(mask_matrix == 1, self.mask)
    result = jnp.where(mask_matrix == 1, MASKV, new)
    score = jax.nn.softmax(result, axis=-1)
    # descending sort of per-sample knowledge scores (top-k masking / pool selection)
    sorted_score, sorted_idx = jax.lax.top_k(score, POOL)
    lab = smooth_labels(labels, RATE)
    nll = jnp.sum(bi_tempered_logistic_loss(result, lab, T1, T2))
    return (sorted_score, sorted_idx, nll)

if __name__ == "__main__":
    import jax
    _d = setup_inputs()
    print(jax.jit(kernel)(*tuple(_d.values())))

</pallas_src>

<mosaic_0001>
#map = affine_map<(d0, d1) -> (0, 0)>
module attributes {stable_mosaic.version = 14 : i64} {
  func.func @_sc_sort(%arg0: i32, %arg1: i32, %arg2: memref<32x2048xf32, #tpu.memory_space<hbm>>, %arg3: memref<32x2048xf32, #tpu.memory_space<hbm>>, %arg4: memref<32x2048xf32, #tpu.memory_space<hbm>>, %arg5: memref<32x2048xi32, #tpu.memory_space<hbm>>, %arg6: memref<2048xf32, #tpu.memory_space<vmem>>, %arg7: memref<2048xi32, #tpu.memory_space<vmem>>, %arg8: memref<2048xi32, #tpu.memory_space<vmem>>, %arg9: memref<2048xi32, #tpu.memory_space<vmem>>, %arg10: memref<2048xi32, #tpu.memory_space<vmem>>, %arg11: memref<2048xf32, #tpu.memory_space<vmem>>, %arg12: memref<32xi32, #tpu.memory_space<vmem>>, %arg13: memref<32xi32, #tpu.memory_space<vmem>>, %arg14: memref<32xi32, #tpu.memory_space<vmem>>) attributes {dimension_semantics = [#tpu.dimension_semantics<core_parallel>, #tpu.dimension_semantics<subcore_parallel>], iteration_bounds = array<i64: 2, 16>, scalar_prefetch = 0 : i64, scratch_operands = 9 : i64, tpu.core_type = #tpu.core_type<sc_vector_subcore>, window_params = [{transform_indices = #map}, {transform_indices = #map}, {transform_indices = #map}, {transform_indices = #map}]} {
    %mul3A = arith.constant 2 : i32
    %mul3A_0 = arith.muli %arg1, %mul3A : i32
    %add3A = arith.addi %mul3A_0, %arg0 : i32
    "tpu.region"() ({
      %run_scoped3A = tpu.sem_alloc : memref<!tpu.dma_semaphore, #tpu.memory_space<semaphore_mem>>
      %dma_start3A = arith.constant 0 : i32
      %dma_start3A_302 = tpu.memref_slice %arg2[%add3A, %dma_start3A] : memref<32x2048xf32, #tpu.memory_space<hbm>> -> memref<1x2048xf32, #tpu.memory_space<hbm>>
      %dma_start3A_303 = tpu.memref_squeeze %dma_start3A_302 : memref<1x2048xf32, #tpu.memory_space<hbm>> -> memref<2048xf32, #tpu.memory_space<hbm>>
      %dma_start3A_304 = arith.constant 0 : i32
      %dma_start3A_305 = tpu.memref_slice %arg2[%add3A, %dma_start3A_304] : memref<32x2048xf32, #tpu.memory_space<hbm>> -> memref<1x2048xf32, #tpu.memory_space<hbm>>
      %dma_start3A_306 = tpu.memref_squeeze %dma_start3A_305 : memref<1x2048xf32, #tpu.memory_space<hbm>> -> memref<2048xf32, #tpu.memory_space<hbm>>
      tpu.enqueue_dma source(%dma_start3A_306 : memref<2048xf32, #tpu.memory_space<hbm>>) target(%arg6 : memref<2048xf32, #tpu.memory_space<vmem>>) target_semaphore(%run_scoped3A : memref<!tpu.dma_semaphore, #tpu.memory_space<semaphore_mem>>)
      %dma_wait3A = arith.constant 0 : i32
      %dma_wait3A_307 = tpu.memref_slice %arg2[%add3A, %dma_wait3A] : memref<32x2048xf32, #tpu.memory_space<hbm>> -> memref<1x2048xf32, #tpu.memory_space<hbm>>
      %dma_wait3A_308 = tpu.memref_squeeze %dma_wait3A_307 : memref<1x2048xf32, #tpu.memory_space<hbm>> -> memref<2048xf32, #tpu.memory_space<hbm>>
      %dma_wait3A_309 = arith.constant 0 : i32
      %dma_wait3A_310 = tpu.memref_slice %arg2[%add3A, %dma_wait3A_309] : memref<32x2048xf32, #tpu.memory_space<hbm>> -> memref<1x2048xf32, #tpu.memory_space<hbm>>
      %dma_wait3A_311 = tpu.memref_squeeze %dma_wait3A_310 : memref<1x2048xf32, #tpu.memory_space<hbm>> -> memref<2048xf32, #tpu.memory_space<hbm>>
      tpu.wait_dma2 semaphore(%run_scoped3A : memref<!tpu.dma_semaphore, #tpu.memory_space<semaphore_mem>>) src(%dma_wait3A_311 : memref<2048xf32, #tpu.memory_space<hbm>>) dst(%arg6 : memref<2048xf32, #tpu.memory_space<vmem>>)
      tpu.yield
    }) : () -> ()
    "tpu.region"() ({
      %run_scoped3A = tpu.sem_alloc : memref<!tpu.dma_semaphore, #tpu.memory_space<semaphore_mem>>
      %dma_start3A = arith.constant 0 : i32
      %dma_start3A_302 = tpu.memref_slice %arg3[%add3A, %dma_start3A] : memref<32x2048xf32, #tpu.memory_space<hbm>> -> memref<1x2048xf32, #tpu.memory_space<hbm>>
      %dma_start3A_303 = tpu.memref_squeeze %dma_start3A_302 : memref<1x2048xf32, #tpu.memory_space<hbm>> -> memref<2048xf32, #tpu.memory_space<hbm>>
      %dma_start3A_304 = arith.constant 0 : i32
      %dma_start3A_305 = tpu.memref_slice %arg3[%add3A, %dma_start3A_304] : memref<32x2048xf32, #tpu.memory_space<hbm>> -> memref<1x2048xf32, #tpu.memory_space<hbm>>
      %dma_start3A_306 = tpu.memref_squeeze %dma_start3A_305 : memref<1x2048xf32, #tpu.memory_space<hbm>> -> memref<2048xf32, #tpu.memory_space<hbm>>
      tpu.enqueue_dma source(%dma_start3A_306 : memref<2048xf32, #tpu.memory_space<hbm>>) target(%arg11 : memref<2048xf32, #tpu.memory_space<vmem>>) target_semaphore(%run_scoped3A : memref<!tpu.dma_semaphore, #tpu.memory_space<semaphore_mem>>)
      %dma_wait3A = arith.constant 0 : i32
      %dma_wait3A_307 = tpu.memref_slice %arg3[%add3A, %dma_wait3A] : memref<32x2048xf32, #tpu.memory_space<hbm>> -> memref<1x2048xf32, #tpu.memory_space<hbm>>
      %dma_wait3A_308 = tpu.memref_squeeze %dma_wait3A_307 : memref<1x2048xf32, #tpu.memory_space<hbm>> -> memref<2048xf32, #tpu.memory_space<hbm>>
      %dma_wait3A_309 = arith.constant 0 : i32
      %dma_wait3A_310 = tpu.memref_slice %arg3[%add3A, %dma_wait3A_309] : memref<32x2048xf32, #tpu.memory_space<hbm>> -> memref<1x2048xf32, #tpu.memory_space<hbm>>
      %dma_wait3A_311 = tpu.memref_squeeze %dma_wait3A_310 : memref<1x2048xf32, #tpu.memory_space<hbm>> -> memref<2048xf32, #tpu.memory_space<hbm>>
      tpu.wait_dma2 semaphore(%run_scoped3A : memref<!tpu.dma_semaphore, #tpu.memory_space<semaphore_mem>>) src(%dma_wait3A_311 : memref<2048xf32, #tpu.memory_space<hbm>>) dst(%arg11 : memref<2048xf32, #tpu.memory_space<vmem>>)
      tpu.yield
    }) : () -> ()
    %scan3A = arith.constant 0 : i32
    %scan3A_1 = arith.constant 0 : i32
    %scan3A_2 = arith.constant 128 : i32
    %scan3A_3 = arith.addi %scan3A_1, %scan3A_2 : i32
    %scan3A_4 = arith.constant 1 : i32
    scf.for %scan3A_302 = %scan3A_1 to %scan3A_3 step %scan3A_4  : i32 {
      %mul3A_303 = arith.constant 16 : i32
      %mul3A_304 = arith.muli %scan3A_302, %mul3A_303 : i32
      %get3A_305 = arith.index_cast %mul3A_304 : i32 to index
      %get3A_306 = tpu.vector_load %arg6[%get3A_305] {strides = array<i32>} : memref<2048xf32, #tpu.memory_space<vmem>>, vector<16xf32>,
      %bitcast3A = vector.bitcast %get3A_306 : vector<16xf32> to vector<16xi32>
      %shift_right_arithmetic3A = arith.constant 31 : i32
      %shift_right_arithmetic3A_307 = vector.broadcast %shift_right_arithmetic3A : i32 to vector<16xi32>
      %shift_right_arithmetic3A_308 = arith.shrsi %bitcast3A, %shift_right_arithmetic3A_307 : vector<16xi32>
      %or3A = arith.constant -2147483648 : i32
      %or3A_309 = vector.broadcast %or3A : i32 to vector<16xi32>
      %or3A_310 = arith.ori %shift_right_arithmetic3A_308, %or3A_309 : vector<16xi32>
      %xor3A = arith.xori %bitcast3A, %or3A_310 : vector<16xi32>
      %not3A = arith.constant dense<-1> : vector<16xi32>
      %not3A_311 = arith.xori %xor3A, %not3A : vector<16xi32>
      %mul3A_312 = arith.constant 16 : i32
      %mul3A_313 = arith.muli %scan3A_302, %mul3A_312 : i32
      %swap3A_314 = arith.index_cast %mul3A_313 : i32 to index
      %swap3A_315 = tpu.vector_load %arg7[%swap3A_314] {strides = array<i32>} : memref<2048xi32, #tpu.memory_space<vmem>>, vector<16xi32>,
      tpu.vector_store %arg7[%swap3A_314], %not3A_311 {strides = array<i32>} : memref<2048xi32, #tpu.memory_space<vmem>>, vector<16xi32>,
      %iota3A = tpu.iota {dimensions = array<i32: 0>} : vector<16xi32>
      %mul3A_316 = arith.constant 16 : i32
      %mul3A_317 = arith.muli %scan3A_302, %mul3A_316 : i32
      %add3A_318 = vector.broadcast %mul3A_317 : i32 to vector<16xi32>
      %add3A_319 = arith.addi %iota3A, %add3A_318 : vector<16xi32>
      %mul3A_320 = arith.constant 16 : i32
      %mul3A_321 = arith.muli %scan3A_302, %mul3A_320 : i32
      %swap3A_322 = arith.index_cast %mul3A_321 : i32 to index
      %swap3A_323 = tpu.vector_load %arg8[%swap3A_322] {strides = array<i32>} : memref<2048xi32, #tpu.memory_space<vmem>>, vector<16xi32>,
      tpu.vector_store %arg8[%swap3A_322], %add3A_319 {strides = array<i32>} : memref<2048xi32, #tpu.memory_space<vmem>>, vector<16xi32>,
    }
    %scan3A_5 = arith.constant 128 : i32
    %broadcast_in_dim3A = arith.constant 0 : i32
    %broadcast_in_dim3A_6 = vector.broadcast %broadcast_in_dim3A : i32 to vector<16xi32>
    %swap3A = arith.constant 0 : index
    %swap3A_7 = tpu.vector_load %arg12[%swap3A] {strides = array<i32>} : memref<32xi32, #tpu.memory_space<vmem>>, vector<16xi32>,
    tpu.vector_store %arg12[%swap3A], %broadcast_in_dim3A_6 {strides = array<i32>} : memref<32xi32, #tpu.memory_space<vmem>>, vector<16xi32>,
    %swap3A_8 = arith.constant 16 : index
    %swap3A_9 = tpu.vector_load %arg12[%swap3A_8] {strides = array<i32>} : memref<32xi32, #tpu.memory_space<vmem>>, vector<16xi32>,
    tpu.vector_store %arg12[%swap3A_8], %broadcast_in_dim3A_6 {strides = array<i32>} : memref<32xi32, #tpu.memory_space<vmem>>, vector<16xi32>,
    %scan3A_10 = arith.constant 0 : i32
    %scan3A_11 = arith.constant 0 : i32
    %scan3A_12 = arith.constant 128 : i32
    %scan3A_13 = arith.addi %scan3A_11, %scan3A_12 : i32
    %scan3A_14 = arith.constant 1 : i32
    scf.for %scan3A_302 = %scan3A_11 to %scan3A_13 step %scan3A_14  : i32 {
      %mul3A_303 = arith.constant 16 : i32
      %mul3A_304 = arith.muli %scan3A_302, %mul3A_303 : i32
      %get3A_305 = arith.index_cast %mul3A_304 : i32 to index
      %get3A_306 = tpu.vector_load %arg7[%get3A_305] {strides = array<i32>} : memref<2048xi32, #tpu.memory_space<vmem>>, vector<16xi32>,
      %shift_right_logical3A = arith.constant 0 : i32
      %shift_right_logical3A_307 = vector.broadcast %shift_right_logical3A : i32 to vector<16xi32>
      %shift_right_logical3A_308 = arith.shrui %get3A_306, %shift_right_logical3A_307 : vector<16xi32>
      %and3A = arith.constant 31 : i32
      %and3A_309 = vector.broadcast %and3A : i32 to vector<16xi32>
      %and3A_310 = arith.andi %shift_right_logical3A_308, %and3A_309 : vector<16xi32>
      %broadcast_in_dim3A_311 = arith.constant true
      %broadcast_in_dim3A_312 = vector.broadcast %broadcast_in_dim3A_311 : i1 to vector<16xi1>
      %unique3A, %unique3A_313 = tpu.scan_count mask(%broadcast_in_dim3A_312 : vector<16xi1>) value(%and3A_310 : vector<16xi32>) : vector<16xi1>, vector<16xi32>
      tpu.vector_store_idx %arg12[%and3A_310], %unique3A_313 masked %unique3A {add = true} : memref<32xi32, #tpu.memory_space<vmem>>[vector<16xi32>], vector<16xi32>, vector<16xi1>
    }
    %scan3A_15 = arith.constant 128 : i32
    %get3A = arith.constant 0 : index
    %get3A_16 = tpu.vector_load %arg12[%get3A] {strides = array<i32>} : memref<32xi32, #tpu.memory_space<vmem>>, vector<16xi32>,
    %get3A_17 = arith.constant 16 : index
    %get3A_18 = tpu.vector_load %arg12[%get3A_17] {strides = array<i32>} : memref<32xi32, #tpu.memory_space<vmem>>, vector<16xi32>,
    %broadcast_in_dim3A_19 = arith.constant true
    %broadcast_in_dim3A_20 = vector.broadcast %broadcast_in_dim3A_19 : i1 to vector<16xi1>
    %masked_cumsum3A = tpu.scan <sum>, %get3A_16 masked %broadcast_in_dim3A_20 : vector<16xi32>, vector<16xi1> -> vector<16xi32>
    %broadcast_in_dim3A_21 = arith.constant true
    %broadcast_in_dim3A_22 = vector.broadcast %broadcast_in_dim3A_21 : i1 to vector<16xi1>
    %masked_cumsum3A_23 = tpu.scan <sum>, %get3A_18 masked %broadcast_in_dim3A_22 : vector<16xi32>, vector<16xi1> -> vector<16xi32>
    %reduce_sum3A = arith.constant true
    %reduce_sum3A_24 = vector.broadcast %reduce_sum3A : i1 to vector<16xi1>
    %reduce_sum3A_25 = tpu.scan <sum>, %get3A_16 masked %reduce_sum3A_24 : vector<16xi32>, vector<16xi1> -> vector<16xi32>
    %reduce_sum3A_26 = vector.extract %reduce_sum3A_25[15] : i32 from vector<16xi32>
    %sub3A = arith.subi %masked_cumsum3A, %get3A_16 : vector<16xi32>
    %swap3A_27 = arith.constant 0 : index
    %swap3A_28 = tpu.vector_load %arg13[%swap3A_27] {strides = array<i32>} : memref<32xi32, #tpu.memory_space<vmem>>, vector<16xi32>,
    tpu.vector_store %arg13[%swap3A_27], %sub3A {strides = array<i32>} : memref<32xi32, #tpu.memory_space<vmem>>, vector<16xi32>,
    %sub3A_29 = arith.subi %masked_cumsum3A_23, %get3A_18 : vector<16xi32>
    %add3A_30 = vector.broadcast %reduce_sum3A_26 : i32 to vector<16xi32>
    %add3A_31 = arith.addi %sub3A_29, %add3A_30 : vector<16xi32>
    %swap3A_32 = arith.constant 16 : index
    %swap3A_33 = tpu.vector_load %arg13[%swap3A_32] {strides = array<i32>} : memref<32xi32, #tpu.memory_space<vmem>>, vector<16xi32>,
    tpu.vector_store %arg13[%swap3A_32], %add3A_31 {strides = array<i32>} : memref<32xi32, #tpu.memory_space<vmem>>, vector<16xi32>,
    %swap3A_34 = arith.constant 0 : index
    %swap3A_35 = tpu.vector_load %arg14[%swap3A_34] {strides = array<i32>} : memref<32xi32, #tpu.memory_space<vmem>>, vector<16xi32>,
    tpu.vector_store %arg14[%swap3A_34], %broadcast_in_dim3A_6 {strides = array<i32>} : memref<32xi32, #tpu.memory_space<vmem>>, vector<16xi32>,
    %swap3A_36 = arith.constant 16 : index
    %swap3A_37 = tpu.vector_load %arg14[%swap3A_36] {strides = array<i32>} : memref<32xi32, #tpu.memory_space<vmem>>, vector<16xi32>,
    tpu.vector_store %arg14[%swap3A_36], %broadcast_in_dim3A_6 {strides = array<i32>} : memref<32xi32, #tpu.memory_space<vmem>>, vector<16xi32>,
    %scan3A_38 = arith.constant 0 : i32
    %scan3A_39 = arith.constant 0 : i32
    %scan3A_40 = arith.constant 128 : i32
    %scan3A_41 = arith.addi %scan3A_39, %scan3A_40 : i32
    %scan3A_42 = arith.constant 1 : i32
    scf.for %scan3A_302 = %scan3A_39 to %scan3A_41 step %scan3A_42  : i32 {
      %mul3A_303 = arith.constant 16 : i32
      %mul3A_304 = arith.muli %scan3A_302, %mul3A_303 : i32
      %get3A_305 = arith.index_cast %mul3A_304 : i32 to index
      %get3A_306 = tpu.vector_load %arg7[%get3A_305] {strides = array<i32>} : memref<2048xi32, #tpu.memory_space<vmem>>, vector<16xi32>,
      %mul3A_307 = arith.constant 16 : i32
      %mul3A_308 = arith.muli %scan3A_302, %mul3A_307 : i32
      %get3A_309 = arith.index_cast %mul3A_308 : i32 to index
      %get3A_310 = tpu.vector_load %arg8[%get3A_309] {strides = array<i32>} : memref<2048xi32, #tpu.memory_space<vmem>>, vector<16xi32>,
      %shift_right_logical3A = arith.constant 0 : i32
      %shift_right_logical3A_311 = vector.broadcast %shift_right_logical3A : i32 to vector<16xi32>
      %shift_right_logical3A_312 = arith.shrui %get3A_306, %shift_right_logical3A_311 : vector<16xi32>
      %and3A = arith.constant 31 : i32
      %and3A_313 = vector.broadcast %and3A : i32 to vector<16xi32>
      %and3A_314 = arith.andi %shift_right_logical3A_312, %and3A_313 : vector<16xi32>
      %broadcast_in_dim3A_315 = arith.constant true
      %broadcast_in_dim3A_316 = vector.broadcast %broadcast_in_dim3A_315 : i1 to vector<16xi1>
      %unique3A, %unique3A_317 = tpu.scan_count mask(%broadcast_in_dim3A_316 : vector<16xi1>) value(%and3A_314 : vector<16xi32>) : vector<16xi1>, vector<16xi32>
      %gather3A = tpu.vector_load_idx %arg13[%and3A_314] : memref<32xi32, #tpu.memory_space<vmem>>[vector<16xi32>], vector<16xi32>,
      %gather3A_318 = tpu.vector_load_idx %arg14[%and3A_314] : memref<32xi32, #tpu.memory_space<vmem>>[vector<16xi32>], vector<16xi32>,
      %add3A_319 = arith.addi %gather3A, %gather3A_318 : vector<16xi32>
      %add3A_320 = arith.addi %add3A_319, %unique3A_317 : vector<16xi32>
      %sub3A_321 = arith.constant 1 : i32
      %sub3A_322 = vector.broadcast %sub3A_321 : i32 to vector<16xi32>
      %sub3A_323 = arith.subi %add3A_320, %sub3A_322 : vector<16xi32>
      tpu.vector_store_idx %arg9[%sub3A_323], %get3A_306 : memref<2048xi32, #tpu.memory_space<vmem>>[vector<16xi32>], vector<16xi32>,
      tpu.vector_store_idx %arg10[%sub3A_323], %get3A_310 : memref<2048xi32, #tpu.memory_space<vmem>>[vector<16xi32>], vector<16xi32>,
      tpu.vector_store_idx %arg14[%and3A_314], %unique3A_317 masked %unique3A {add = true} : memref<32xi32, #tpu.memory_space<vmem>>[vector<16xi32>], vector<16xi32>, vector<16xi1>
    }
    %scan3A_43 = arith.constant 128 : i32
    %swap3A_44 = arith.constant 0 : index
    %swap3A_45 = tpu.vector_load %arg12[%swap3A_44] {strides = array<i32>} : memref<32xi32, #tpu.memory_space<vmem>>, vector<16xi32>,
    tpu.vector_store %arg12[%swap3A_44], %broadcast_in_dim3A_6 {strides = array<i32>} : memref<32xi32, #tpu.memory_space<vmem>>, vector<16xi32>,
    %swap3A_46 = arith.constant 16 : index
    %swap3A_47 = tpu.vector_load %arg12[%swap3A_46] {strides = array<i32>} : memref<32xi32, #tpu.memory_space<vmem>>, vector<16xi32>,
    tpu.vector_store %arg12[%swap3A_46], %broadcast_in_dim3A_6 {strides = array<i32>} : memref<32xi32, #tpu.memory_space<vmem>>, vector<16xi32>,
    %scan3A_48 = arith.constant 0 : i32
    %scan3A_49 = arith.constant 0 : i32
    %scan3A_50 = arith.constant 128 : i32
    %scan3A_51 = arith.addi %scan3A_49, %scan3A_50 : i32
    %scan3A_52 = arith.constant 1 : i32
    scf.for %scan3A_302 = %scan3A_49 to %scan3A_51 step %scan3A_52  : i32 {
      %mul3A_303 = arith.constant 16 : i32
      %mul3A_304 = arith.muli %scan3A_302, %mul3A_303 : i32
      %get3A_305 = arith.index_cast %mul3A_304 : i32 to index
      %get3A_306 = tpu.vector_load %arg9[%get3A_305] {strides = array<i32>} : memref<2048xi32, #tpu.memory_space<vmem>>, vector<16xi32>,
      %shift_right_logical3A = arith.constant 5 : i32
      %shift_right_logical3A_307 = vector.broadcast %shift_right_logical3A : i32 to vector<16xi32>
      %shift_right_logical3A_308 = arith.shrui %get3A_306, %shift_right_logical3A_307 : vector<16xi32>
      %and3A = arith.constant 31 : i32
      %and3A_309 = vector.broadcast %and3A : i32 to vector<16xi32>
      %and3A_310 = arith.andi %shift_right_logical3A_308, %and3A_309 : vector<16xi32>
      %broadcast_in_dim3A_311 = arith.constant true
      %broadcast_in_dim3A_312 = vector.broadcast %broadcast_in_dim3A_311 : i1 to vector<16xi1>
      %unique3A, %unique3A_313 = tpu.scan_count mask(%broadcast_in_dim3A_312 : vector<16xi1>) value(%and3A_310 : vector<16xi32>) : vector<16xi1>, vector<16xi32>
      tpu.vector_store_idx %arg12[%and3A_310], %unique3A_313 masked %unique3A {add = true} : memref<32xi32, #tpu.memory_space<vmem>>[vector<16xi32>], vector<16xi32>, vector<16xi1>
    }
    %scan3A_53 = arith.constant 128 : i32
    %get3A_54 = arith.constant 0 : index
    %get3A_55 = tpu.vector_load %arg12[%get3A_54] {strides = array<i32>} : memref<32xi32, #tpu.memory_space<vmem>>, vector<16xi32>,
    %get3A_56 = arith.constant 16 : index
    %get3A_57 = tpu.vector_load %arg12[%get3A_56] {strides = array<i32>} : memref<32xi32, #tpu.memory_space<vmem>>, vector<16xi32>,
    %broadcast_in_dim3A_58 = arith.constant true
    %broadcast_in_dim3A_59 = vector.broadcast %broadcast_in_dim3A_58 : i1 to vector<16xi1>
    %masked_cumsum3A_60 = tpu.scan <sum>, %get3A_55 masked %broadcast_in_dim3A_59 : vector<16xi32>, vector<16xi1> -> vector<16xi32>
    %broadcast_in_dim3A_61 = arith.constant true
    %broadcast_in_dim3A_62 = vector.broadcast %broadcast_in_dim3A_61 : i1 to vector<16xi1>
    %masked_cumsum3A_63 = tpu.scan <sum>, %get3A_57 masked %broadcast_in_dim3A_62 : vector<16xi32>, vector<16xi1> -> vector<16xi32>
    %reduce_sum3A_64 = arith.constant true
    %reduce_sum3A_65 = vector.broadcast %reduce_sum3A_64 : i1 to vector<16xi1>
    %reduce_sum3A_66 = tpu.scan <sum>, %get3A_55 masked %reduce_sum3A_65 : vector<16xi32>, vector<16xi1> -> vector<16xi32>
    %reduce_sum3A_67 = vector.extract %reduce_sum3A_66[15] : i32 from vector<16xi32>
    %sub3A_68 = arith.subi %masked_cumsum3A_60, %get3A_55 : vector<16xi32>
    %swap3A_69 = arith.constant 0 : index
    %swap3A_70 = tpu.vector_load %arg13[%swap3A_69] {strides = array<i32>} : memref<32xi32, #tpu.memory_space<vmem>>, vector<16xi32>,
    tpu.vector_store %arg13[%swap3A_69], %sub3A_68 {strides = array<i32>} : memref<32xi32, #tpu.memory_space<vmem>>, vector<16xi32>,
    %sub3A_71 = arith.subi %masked_cumsum3A_63, %get3A_57 : vector<16xi32>
    %add3A_72 = vector.broadcast %reduce_sum3A_67 : i32 to vector<16xi32>
    %add3A_73 = arith.addi %sub3A_71, %add3A_72 : vector<16xi32>
    %swap3A_74 = arith.constant 16 : index
    %swap3A_75 = tpu.vector_load %arg13[%swap3A_74] {strides = array<i32>} : memref<32xi32, #tpu.memory_space<vmem>>, vector<16xi32>,
    tpu.vector_store %arg13[%swap3A_74], %add3A_73 {strides = array<i32>} : memref<32xi32, #tpu.memory_space<vmem>>, vector<16xi32>,
    %swap3A_76 = arith.constant 0 : index
    %swap3A_77 = tpu.vector_load %arg14[%swap3A_76] {strides = array<i32>} : memref<32xi32, #tpu.memory_space<vmem>>, vector<16xi32>,
    tpu.vector_store %arg14[%swap3A_76], %broadcast_in_dim3A_6 {strides = array<i32>} : memref<32xi32, #tpu.memory_space<vmem>>, vector<16xi32>,
    %swap3A_78 = arith.constant 16 : index
    %swap3A_79 = tpu.vector_load %arg14[%swap3A_78] {strides = array<i32>} : memref<32xi32, #tpu.memory_space<vmem>>, vector<16xi32>,
    tpu.vector_store %arg14[%swap3A_78], %broadcast_in_dim3A_6 {strides = array<i32>} : memref<32xi32, #tpu.memory_space<vmem>>, vector<16xi32>,
    %scan3A_80 = arith.constant 0 : i32
    %scan3A_81 = arith.constant 0 : i32
    %scan3A_82 = arith.constant 128 : i32
    %scan3A_83 = arith.addi %scan3A_81, %scan3A_82 : i32
    %scan3A_84 = arith.constant 1 : i32
    scf.for %scan3A_302 = %scan3A_81 to %scan3A_83 step %scan3A_84  : i32 {
      %mul3A_303 = arith.constant 16 : i32
      %mul3A_304 = arith.muli %scan3A_302, %mul3A_303 : i32
      %get3A_305 = arith.index_cast %mul3A_304 : i32 to index
      %get3A_306 = tpu.vector_load %arg9[%get3A_305] {strides = array<i32>} : memref<2048xi32, #tpu.memory_space<vmem>>, vector<16xi32>,
      %mul3A_307 = arith.constant 16 : i32
      %mul3A_308 = arith.muli %scan3A_302, %mul3A_307 : i32
      %get3A_309 = arith.index_cast %mul3A_308 : i32 to index
      %get3A_310 = tpu.vector_load %arg10[%get3A_309] {strides = array<i32>} : memref<2048xi32, #tpu.memory_space<vmem>>, vector<16xi32>,
      %shift_right_logical3A = arith.constant 5 : i32
      %shift_right_logical3A_311 = vector.broadcast %shift_right_logical3A : i32 to vector<16xi32>
      %shift_right_logical3A_312 = arith.shrui %get3A_306, %shift_right_logical3A_311 : vector<16xi32>
      %and3A = arith.constant 31 : i32
      %and3A_313 = vector.broadcast %and3A : i32 to vector<16xi32>
      %and3A_314 = arith.andi %shift_right_logical3A_312, %and3A_313 : vector<16xi32>
      %broadcast_in_dim3A_315 = arith.constant true
      %broadcast_in_dim3A_316 = vector.broadcast %broadcast_in_dim3A_315 : i1 to vector<16xi1>
      %unique3A, %unique3A_317 = tpu.scan_count mask(%broadcast_in_dim3A_316 : vector<16xi1>) value(%and3A_314 : vector<16xi32>) : vector<16xi1>, vector<16xi32>
      %gather3A = tpu.vector_load_idx %arg13[%and3A_314] : memref<32xi32, #tpu.memory_space<vmem>>[vector<16xi32>], vector<16xi32>,
      %gather3A_318 = tpu.vector_load_idx %arg14[%and3A_314] : memref<32xi32, #tpu.memory_space<vmem>>[vector<16xi32>], vector<16xi32>,
      %add3A_319 = arith.addi %gather3A, %gather3A_318 : vector<16xi32>
      %add3A_320 = arith.addi %add3A_319, %unique3A_317 : vector<16xi32>
      %sub3A_321 = arith.constant 1 : i32
      %sub3A_322 = vector.broadcast %sub3A_321 : i32 to vector<16xi32>
      %sub3A_323 = arith.subi %add3A_320, %sub3A_322 : vector<16xi32>
      tpu.vector_store_idx %arg7[%sub3A_323], %get3A_306 : memref<2048xi32, #tpu.memory_space<vmem>>[vector<16xi32>], vector<16xi32>,
      tpu.vector_store_idx %arg8[%sub3A_323], %get3A_310 : memref<2048xi32, #tpu.memory_space<vmem>>[vector<16xi32>], vector<16xi32>,
      tpu.vector_store_idx %arg14[%and3A_314], %unique3A_317 masked %unique3A {add = true} : memref<32xi32, #tpu.memory_space<vmem>>[vector<16xi32>], vector<16xi32>, vector<16xi1>
    }
    %scan3A_85 = arith.constant 128 : i32
    %swap3A_86 = arith.constant 0 : index
    %swap3A_87 = tpu.vector_load %arg12[%swap3A_86] {strides = array<i32>} : memref<32xi32, #tpu.memory_space<vmem>>, vector<16xi32>,
    tpu.vector_store %arg12[%swap3A_86], %broadcast_in_dim3A_6 {strides = array<i32>} : memref<32xi32, #tpu.memory_space<vmem>>, vector<16xi32>,
    %swap3A_88 = arith.constant 16 : index
    %swap3A_89 = tpu.vector_load %arg12[%swap3A_88] {strides = array<i32>} : memref<32xi32, #tpu.memory_space<vmem>>, vector<16xi32>,
    tpu.vector_store %arg12[%swap3A_88], %broadcast_in_dim3A_6 {strides = array<i32>} : memref<32xi32, #tpu.memory_space<vmem>>, vector<16xi32>,
    %scan3A_90 = arith.constant 0 : i32
    %scan3A_91 = arith.constant 0 : i32
    %scan3A_92 = arith.constant 128 : i32
    %scan3A_93 = arith.addi %scan3A_91, %scan3A_92 : i32
    %scan3A_94 = arith.constant 1 : i32
    scf.for %scan3A_302 = %scan3A_91 to %scan3A_93 step %scan3A_94  : i32 {
      %mul3A_303 = arith.constant 16 : i32
      %mul3A_304 = arith.muli %scan3A_302, %mul3A_303 : i32
      %get3A_305 = arith.index_cast %mul3A_304 : i32 to index
      %get3A_306 = tpu.vector_load %arg7[%get3A_305] {strides = array<i32>} : memref<2048xi32, #tpu.memory_space<vmem>>, vector<16xi32>,
      %shift_right_logical3A = arith.constant 10 : i32
      %shift_right_logical3A_307 = vector.broadcast %shift_right_logical3A : i32 to vector<16xi32>
      %shift_right_logical3A_308 = arith.shrui %get3A_306, %shift_right_logical3A_307 : vector<16xi32>
      %and3A = arith.constant 31 : i32
      %and3A_309 = vector.broadcast %and3A : i32 to vector<16xi32>
      %and3A_310 = arith.andi %shift_right_logical3A_308, %and3A_309 : vector<16xi32>
      %broadcast_in_dim3A_311 = arith.constant true
      %broadcast_in_dim3A_312 = vector.broadcast %broadcast_in_dim3A_311 : i1 to vector<16xi1>
      %unique3A, %unique3A_313 = tpu.scan_count mask(%broadcast_in_dim3A_312 : vector<16xi1>) value(%and3A_310 : vector<16xi32>) : vector<16xi1>, vector<16xi32>
      tpu.vector_store_idx %arg12[%and3A_310], %unique3A_313 masked %unique3A {add = true} : memref<32xi32, #tpu.memory_space<vmem>>[vector<16xi32>], vector<16xi32>, vector<16xi1>
    }
    %scan3A_95 = arith.constant 128 : i32
    %get3A_96 = arith.constant 0 : index
    %get3A_97 = tpu.vector_load %arg12[%get3A_96] {strides = array<i32>} : memref<32xi32, #tpu.memory_space<vmem>>, vector<16xi32>,
    %get3A_98 = arith.constant 16 : index
    %get3A_99 = tpu.vector_load %arg12[%get3A_98] {strides = array<i32>} : memref<32xi32, #tpu.memory_space<vmem>>, vector<16xi32>,
    %broadcast_in_dim3A_100 = arith.constant true
    %broadcast_in_dim3A_101 = vector.broadcast %broadcast_in_dim3A_100 : i1 to vector<16xi1>
    %masked_cumsum3A_102 = tpu.scan <sum>, %get3A_97 masked %broadcast_in_dim3A_101 : vector<16xi32>, vector<16xi1> -> vector<16xi32>
    %broadcast_in_dim3A_103 = arith.constant true
    %broadcast_in_dim3A_104 = vector.broadcast %broadcast_in_dim3A_103 : i1 to vector<16xi1>
    %masked_cumsum3A_105 = tpu.scan <sum>, %get3A_99 masked %broadcast_in_dim3A_104 : vector<16xi32>, vector<16xi1> -> vector<16xi32>
    %reduce_sum3A_106 = arith.constant true
    %reduce_sum3A_107 = vector.broadcast %reduce_sum3A_106 : i1 to vector<16xi1>
    %reduce_sum3A_108 = tpu.scan <sum>, %get3A_97 masked %reduce_sum3A_107 : vector<16xi32>, vector<16xi1> -> vector<16xi32>
    %reduce_sum3A_109 = vector.extract %reduce_sum3A_108[15] : i32 from vector<16xi32>
    %sub3A_110 = arith.subi %masked_cumsum3A_102, %get3A_97 : vector<16xi32>
    %swap3A_111 = arith.constant 0 : index
    %swap3A_112 = tpu.vector_load %arg13[%swap3A_111] {strides = array<i32>} : memref<32xi32, #tpu.memory_space<vmem>>, vector<16xi32>,
    tpu.vector_store %arg13[%swap3A_111], %sub3A_110 {strides = array<i32>} : memref<32xi32, #tpu.memory_space<vmem>>, vector<16xi32>,
    %sub3A_113 = arith.subi %masked_cumsum3A_105, %get3A_99 : vector<16xi32>
    %add3A_114 = vector.broadcast %reduce_sum3A_109 : i32 to vector<16xi32>
    %add3A_115 = arith.addi %sub3A_113, %add3A_114 : vector<16xi32>
    %swap3A_116 = arith.constant 16 : index
    %swap3A_117 = tpu.vector_load %arg13[%swap3A_116] {strides = array<i32>} : memref<32xi32, #tpu.memory_space<vmem>>, vector<16xi32>,
    tpu.vector_store %arg13[%swap3A_116], %add3A_115 {strides = array<i32>} : memref<32xi32, #tpu.memory_space<vmem>>, vector<16xi32>,
    %swap3A_118 = arith.constant 0 : index
    %swap3A_119 = tpu.vector_load %arg14[%swap3A_118] {strides = array<i32>} : memref<32xi32, #tpu.memory_space<vmem>>, vector<16xi32>,
    tpu.vector_store %arg14[%swap3A_118], %broadcast_in_dim3A_6 {strides = array<i32>} : memref<32xi32, #tpu.memory_space<vmem>>, vector<16xi32>,
    %swap3A_120 = arith.constant 16 : index
    %swap3A_121 = tpu.vector_load %arg14[%swap3A_120] {strides = array<i32>} : memref<32xi32, #tpu.memory_space<vmem>>, vector<16xi32>,
    tpu.vector_store %arg14[%swap3A_120], %broadcast_in_dim3A_6 {strides = array<i32>} : memref<32xi32, #tpu.memory_space<vmem>>, vector<16xi32>,
    %scan3A_122 = arith.constant 0 : i32
    %scan3A_123 = arith.constant 0 : i32
    %scan3A_124 = arith.constant 128 : i32
    %scan3A_125 = arith.addi %scan3A_123, %scan3A_124 : i32
    %scan3A_126 = arith.constant 1 : i32
    scf.for %scan3A_302 = %scan3A_123 to %scan3A_125 step %scan3A_126  : i32 {
      %mul3A_303 = arith.constant 16 : i32
      %mul3A_304 = arith.muli %scan3A_302, %mul3A_303 : i32
      %get3A_305 = arith.index_cast %mul3A_304 : i32 to index
      %get3A_306 = tpu.vector_load %arg7[%get3A_305] {strides = array<i32>} : memref<2048xi32, #tpu.memory_space<vmem>>, vector<16xi32>,
      %mul3A_307 = arith.constant 16 : i32
      %mul3A_308 = arith.muli %scan3A_302, %mul3A_307 : i32
      %get3A_309 = arith.index_cast %mul3A_308 : i32 to index
      %get3A_310 = tpu.vector_load %arg8[%get3A_309] {strides = array<i32>} : memref<2048xi32, #tpu.memory_space<vmem>>, vector<16xi32>,
      %shift_right_logical3A = arith.constant 10 : i32
      %shift_right_logical3A_311 = vector.broadcast %shift_right_logical3A : i32 to vector<16xi32>
      %shift_right_logical3A_312 = arith.shrui %get3A_306, %shift_right_logical3A_311 : vector<16xi32>
      %and3A = arith.constant 31 : i32
      %and3A_313 = vector.broadcast %and3A : i32 to vector<16xi32>
      %and3A_314 = arith.andi %shift_right_logical3A_312, %and3A_313 : vector<16xi32>
      %broadcast_in_dim3A_315 = arith.constant true
      %broadcast_in_dim3A_316 = vector.broadcast %broadcast_in_dim3A_315 : i1 to vector<16xi1>
      %unique3A, %unique3A_317 = tpu.scan_count mask(%broadcast_in_dim3A_316 : vector<16xi1>) value(%and3A_314 : vector<16xi32>) : vector<16xi1>, vector<16xi32>
      %gather3A = tpu.vector_load_idx %arg13[%and3A_314] : memref<32xi32, #tpu.memory_space<vmem>>[vector<16xi32>], vector<16xi32>,
      %gather3A_318 = tpu.vector_load_idx %arg14[%and3A_314] : memref<32xi32, #tpu.memory_space<vmem>>[vector<16xi32>], vector<16xi32>,
      %add3A_319 = arith.addi %gather3A, %gather3A_318 : vector<16xi32>
      %add3A_320 = arith.addi %add3A_319, %unique3A_317 : vector<16xi32>
      %sub3A_321 = arith.constant 1 : i32
      %sub3A_322 = vector.broadcast %sub3A_321 : i32 to vector<16xi32>
      %sub3A_323 = arith.subi %add3A_320, %sub3A_322 : vector<16xi32>
      tpu.vector_store_idx %arg9[%sub3A_323], %get3A_306 : memref<2048xi32, #tpu.memory_space<vmem>>[vector<16xi32>], vector<16xi32>,
      tpu.vector_store_idx %arg10[%sub3A_323], %get3A_310 : memref<2048xi32, #tpu.memory_space<vmem>>[vector<16xi32>], vector<16xi32>,
      tpu.vector_store_idx %arg14[%and3A_314], %unique3A_317 masked %unique3A {add = true} : memref<32xi32, #tpu.memory_space<vmem>>[vector<16xi32>], vector<16xi32>, vector<16xi1>
    }
    %scan3A_127 = arith.constant 128 : i32
    %swap3A_128 = arith.constant 0 : index
    %swap3A_129 = tpu.vector_load %arg12[%swap3A_128] {strides = array<i32>} : memref<32xi32, #tpu.memory_space<vmem>>, vector<16xi32>,
    tpu.vector_store %arg12[%swap3A_128], %broadcast_in_dim3A_6 {strides = array<i32>} : memref<32xi32, #tpu.memory_space<vmem>>, vector<16xi32>,
    %swap3A_130 = arith.constant 16 : index
    %swap3A_131 = tpu.vector_load %arg12[%swap3A_130] {strides = array<i32>} : memref<32xi32, #tpu.memory_space<vmem>>, vector<16xi32>,
    tpu.vector_store %arg12[%swap3A_130], %broadcast_in_dim3A_6 {strides = array<i32>} : memref<32xi32, #tpu.memory_space<vmem>>, vector<16xi32>,
    %scan3A_132 = arith.constant 0 : i32
    %scan3A_133 = arith.constant 0 : i32
    %scan3A_134 = arith.constant 128 : i32
    %scan3A_135 = arith.addi %scan3A_133, %scan3A_134 : i32
    %scan3A_136 = arith.constant 1 : i32
    scf.for %scan3A_302 = %scan3A_133 to %scan3A_135 step %scan3A_136  : i32 {
      %mul3A_303 = arith.constant 16 : i32
      %mul3A_304 = arith.muli %scan3A_302, %mul3A_303 : i32
      %get3A_305 = arith.index_cast %mul3A_304 : i32 to index
      %get3A_306 = tpu.vector_load %arg9[%get3A_305] {strides = array<i32>} : memref<2048xi32, #tpu.memory_space<vmem>>, vector<16xi32>,
      %shift_right_logical3A = arith.constant 15 : i32
      %shift_right_logical3A_307 = vector.broadcast %shift_right_logical3A : i32 to vector<16xi32>
      %shift_right_logical3A_308 = arith.shrui %get3A_306, %shift_right_logical3A_307 : vector<16xi32>
      %and3A = arith.constant 31 : i32
      %and3A_309 = vector.broadcast %and3A : i32 to vector<16xi32>
      %and3A_310 = arith.andi %shift_right_logical3A_308, %and3A_309 : vector<16xi32>
      %broadcast_in_dim3A_311 = arith.constant true
      %broadcast_in_dim3A_312 = vector.broadcast %broadcast_in_dim3A_311 : i1 to vector<16xi1>
      %unique3A, %unique3A_313 = tpu.scan_count mask(%broadcast_in_dim3A_312 : vector<16xi1>) value(%and3A_310 : vector<16xi32>) : vector<16xi1>, vector<16xi32>
      tpu.vector_store_idx %arg12[%and3A_310], %unique3A_313 masked %unique3A {add = true} : memref<32xi32, #tpu.memory_space<vmem>>[vector<16xi32>], vector<16xi32>, vector<16xi1>
    }
    %scan3A_137 = arith.constant 128 : i32
    %get3A_138 = arith.constant 0 : index
    %get3A_139 = tpu.vector_load %arg12[%get3A_138] {strides = array<i32>} : memref<32xi32, #tpu.memory_space<vmem>>, vector<16xi32>,
    %get3A_140 = arith.constant 16 : index
    %get3A_141 = tpu.vector_load %arg12[%get3A_140] {strides = array<i32>} : memref<32xi32, #tpu.memory_space<vmem>>, vector<16xi32>,
    %broadcast_in_dim3A_142 = arith.constant true
    %broadcast_in_dim3A_143 = vector.broadcast %broadcast_in_dim3A_142 : i1 to vector<16xi1>
    %masked_cumsum3A_144 = tpu.scan <sum>, %get3A_139 masked %broadcast_in_dim3A_143 : vector<16xi32>, vector<16xi1> -> vector<16xi32>
    %broadcast_in_dim3A_145 = arith.constant true
    %broadcast_in_dim3A_146 = vector.broadcast %broadcast_in_dim3A_145 : i1 to vector<16xi1>
    %masked_cumsum3A_147 = tpu.scan <sum>, %get3A_141 masked %broadcast_in_dim3A_146 : vector<16xi32>, vector<16xi1> -> vector<16xi32>
    %reduce_sum3A_148 = arith.constant true
    %reduce_sum3A_149 = vector.broadcast %reduce_sum3A_148 : i1 to vector<16xi1>
    %reduce_sum3A_150 = tpu.scan <sum>, %get3A_139 masked %reduce_sum3A_149 : vector<16xi32>, vector<16xi1> -> vector<16xi32>
    %reduce_sum3A_151 = vector.extract %reduce_sum3A_150[15] : i32 from vector<16xi32>
    %sub3A_152 = arith.subi %masked_cumsum3A_144, %get3A_139 : vector<16xi32>
    %swap3A_153 = arith.constant 0 : index
    %swap3A_154 = tpu.vector_load %arg13[%swap3A_153] {strides = array<i32>} : memref<32xi32, #tpu.memory_space<vmem>>, vector<16xi32>,
    tpu.vector_store %arg13[%swap3A_153], %sub3A_152 {strides = array<i32>} : memref<32xi32, #tpu.memory_space<vmem>>, vector<16xi32>,
    %sub3A_155 = arith.subi %masked_cumsum3A_147, %get3A_141 : vector<16xi32>
    %add3A_156 = vector.broadcast %reduce_sum3A_151 : i32 to vector<16xi32>
    %add3A_157 = arith.addi %sub3A_155, %add3A_156 : vector<16xi32>
    %swap3A_158 = arith.constant 16 : index
    %swap3A_159 = tpu.vector_load %arg13[%swap3A_158] {strides = array<i32>} : memref<32xi32, #tpu.memory_space<vmem>>, vector<16xi32>,
    tpu.vector_store %arg13[%swap3A_158], %add3A_157 {strides = array<i32>} : memref<32xi32, #tpu.memory_space<vmem>>, vector<16xi32>,
    %swap3A_160 = arith.constant 0 : index
    %swap3A_161 = tpu.vector_load %arg14[%swap3A_160] {strides = array<i32>} : memref<32xi32, #tpu.memory_space<vmem>>, vector<16xi32>,
    tpu.vector_store %arg14[%swap3A_160], %broadcast_in_dim3A_6 {strides = array<i32>} : memref<32xi32, #tpu.memory_space<vmem>>, vector<16xi32>,
    %swap3A_162 = arith.constant 16 : index
    %swap3A_163 = tpu.vector_load %arg14[%swap3A_162] {strides = array<i32>} : memref<32xi32, #tpu.memory_space<vmem>>, vector<16xi32>,
    tpu.vector_store %arg14[%swap3A_162], %broadcast_in_dim3A_6 {strides = array<i32>} : memref<32xi32, #tpu.memory_space<vmem>>, vector<16xi32>,
    %scan3A_164 = arith.constant 0 : i32
    %scan3A_165 = arith.constant 0 : i32
    %scan3A_166 = arith.constant 128 : i32
    %scan3A_167 = arith.addi %scan3A_165, %scan3A_166 : i32
    %scan3A_168 = arith.constant 1 : i32
    scf.for %scan3A_302 = %scan3A_165 to %scan3A_167 step %scan3A_168  : i32 {
      %mul3A_303 = arith.constant 16 : i32
      %mul3A_304 = arith.muli %scan3A_302, %mul3A_303 : i32
      %get3A_305 = arith.index_cast %mul3A_304 : i32 to index
      %get3A_306 = tpu.vector_load %arg9[%get3A_305] {strides = array<i32>} : memref<2048xi32, #tpu.memory_space<vmem>>, vector<16xi32>,
      %mul3A_307 = arith.constant 16 : i32
      %mul3A_308 = arith.muli %scan3A_302, %mul3A_307 : i32
      %get3A_309 = arith.index_cast %mul3A_308 : i32 to index
      %get3A_310 = tpu.vector_load %arg10[%get3A_309] {strides = array<i32>} : memref<2048xi32, #tpu.memory_space<vmem>>, vector<16xi32>,
      %shift_right_logical3A = arith.constant 15 : i32
      %shift_right_logical3A_311 = vector.broadcast %shift_right_logical3A : i32 to vector<16xi32>
      %shift_right_logical3A_312 = arith.shrui %get3A_306, %shift_right_logical3A_311 : vector<16xi32>
      %and3A = arith.constant 31 : i32
      %and3A_313 = vector.broadcast %and3A : i32 to vector<16xi32>
      %and3A_314 = arith.andi %shift_right_logical3A_312, %and3A_313 : vector<16xi32>
      %broadcast_in_dim3A_315 = arith.constant true
      %broadcast_in_dim3A_316 = vector.broadcast %broadcast_in_dim3A_315 : i1 to vector<16xi1>
      %unique3A, %unique3A_317 = tpu.scan_count mask(%broadcast_in_dim3A_316 : vector<16xi1>) value(%and3A_314 : vector<16xi32>) : vector<16xi1>, vector<16xi32>
      %gather3A = tpu.vector_load_idx %arg13[%and3A_314] : memref<32xi32, #tpu.memory_space<vmem>>[vector<16xi32>], vector<16xi32>,
      %gather3A_318 = tpu.vector_load_idx %arg14[%and3A_314] : memref<32xi32, #tpu.memory_space<vmem>>[vector<16xi32>], vector<16xi32>,
      %add3A_319 = arith.addi %gather3A, %gather3A_318 : vector<16xi32>
      %add3A_320 = arith.addi %add3A_319, %unique3A_317 : vector<16xi32>
      %sub3A_321 = arith.constant 1 : i32
      %sub3A_322 = vector.broadcast %sub3A_321 : i32 to vector<16xi32>
      %sub3A_323 = arith.subi %add3A_320, %sub3A_322 : vector<16xi32>
      tpu.vector_store_idx %arg7[%sub3A_323], %get3A_306 : memref<2048xi32, #tpu.memory_space<vmem>>[vector<16xi32>], vector<16xi32>,
      tpu.vector_store_idx %arg8[%sub3A_323], %get3A_310 : memref<2048xi32, #tpu.memory_space<vmem>>[vector<16xi32>], vector<16xi32>,
      tpu.vector_store_idx %arg14[%and3A_314], %unique3A_317 masked %unique3A {add = true} : memref<32xi32, #tpu.memory_space<vmem>>[vector<16xi32>], vector<16xi32>, vector<16xi1>
    }
    %scan3A_169 = arith.constant 128 : i32
    %swap3A_170 = arith.constant 0 : index
    %swap3A_171 = tpu.vector_load %arg12[%swap3A_170] {strides = array<i32>} : memref<32xi32, #tpu.memory_space<vmem>>, vector<16xi32>,
    tpu.vector_store %arg12[%swap3A_170], %broadcast_in_dim3A_6 {strides = array<i32>} : memref<32xi32, #tpu.memory_space<vmem>>, vector<16xi32>,
    %swap3A_172 = arith.constant 16 : index
    %swap3A_173 = tpu.vector_load %arg12[%swap3A_172] {strides = array<i32>} : memref<32xi32, #tpu.memory_space<vmem>>, vector<16xi32>,
    tpu.vector_store %arg12[%swap3A_172], %broadcast_in_dim3A_6 {strides = array<i32>} : memref<32xi32, #tpu.memory_space<vmem>>, vector<16xi32>,
    %scan3A_174 = arith.constant 0 : i32
    %scan3A_175 = arith.constant 0 : i32
    %scan3A_176 = arith.constant 128 : i32
    %scan3A_177 = arith.addi %scan3A_175, %scan3A_176 : i32
    %scan3A_178 = arith.constant 1 : i32
    scf.for %scan3A_302 = %scan3A_175 to %scan3A_177 step %scan3A_178  : i32 {
      %mul3A_303 = arith.constant 16 : i32
      %mul3A_304 = arith.muli %scan3A_302, %mul3A_303 : i32
      %get3A_305 = arith.index_cast %mul3A_304 : i32 to index
      %get3A_306 = tpu.vector_load %arg7[%get3A_305] {strides = array<i32>} : memref<2048xi32, #tpu.memory_space<vmem>>, vector<16xi32>,
      %shift_right_logical3A = arith.constant 20 : i32
      %shift_right_logical3A_307 = vector.broadcast %shift_right_logical3A : i32 to vector<16xi32>
      %shift_right_logical3A_308 = arith.shrui %get3A_306, %shift_right_logical3A_307 : vector<16xi32>
      %and3A = arith.constant 31 : i32
      %and3A_309 = vector.broadcast %and3A : i32 to vector<16xi32>
      %and3A_310 = arith.andi %shift_right_logical3A_308, %and3A_309 : vector<16xi32>
      %broadcast_in_dim3A_311 = arith.constant true
      %broadcast_in_dim3A_312 = vector.broadcast %broadcast_in_dim3A_311 : i1 to vector<16xi1>
      %unique3A, %unique3A_313 = tpu.scan_count mask(%broadcast_in_dim3A_312 : vector<16xi1>) value(%and3A_310 : vector<16xi32>) : vector<16xi1>, vector<16xi32>
      tpu.vector_store_idx %arg12[%and3A_310], %unique3A_313 masked %unique3A {add = true} : memref<32xi32, #tpu.memory_space<vmem>>[vector<16xi32>], vector<16xi32>, vector<16xi1>
    }
    %scan3A_179 = arith.constant 128 : i32
    %get3A_180 = arith.constant 0 : index
    %get3A_181 = tpu.vector_load %arg12[%get3A_180] {strides = array<i32>} : memref<32xi32, #tpu.memory_space<vmem>>, vector<16xi32>,
    %get3A_182 = arith.constant 16 : index
    %get3A_183 = tpu.vector_load %arg12[%get3A_182] {strides = array<i32>} : memref<32xi32, #tpu.memory_space<vmem>>, vector<16xi32>,
    %broadcast_in_dim3A_184 = arith.constant true
    %broadcast_in_dim3A_185 = vector.broadcast %broadcast_in_dim3A_184 : i1 to vector<16xi1>
    %masked_cumsum3A_186 = tpu.scan <sum>, %get3A_181 masked %broadcast_in_dim3A_185 : vector<16xi32>, vector<16xi1> -> vector<16xi32>
    %broadcast_in_dim3A_187 = arith.constant true
    %broadcast_in_dim3A_188 = vector.broadcast %broadcast_in_dim3A_187 : i1 to vector<16xi1>
    %masked_cumsum3A_189 = tpu.scan <sum>, %get3A_183 masked %broadcast_in_dim3A_188 : vector<16xi32>, vector<16xi1> -> vector<16xi32>
    %reduce_sum3A_190 = arith.constant true
    %reduce_sum3A_191 = vector.broadcast %reduce_sum3A_190 : i1 to vector<16xi1>
    %reduce_sum3A_192 = tpu.scan <sum>, %get3A_181 masked %reduce_sum3A_191 : vector<16xi32>, vector<16xi1> -> vector<16xi32>
    %reduce_sum3A_193 = vector.extract %reduce_sum3A_192[15] : i32 from vector<16xi32>
    %sub3A_194 = arith.subi %masked_cumsum3A_186, %get3A_181 : vector<16xi32>
    %swap3A_195 = arith.constant 0 : index
    %swap3A_196 = tpu.vector_load %arg13[%swap3A_195] {strides = array<i32>} : memref<32xi32, #tpu.memory_space<vmem>>, vector<16xi32>,
    tpu.vector_store %arg13[%swap3A_195], %sub3A_194 {strides = array<i32>} : memref<32xi32, #tpu.memory_space<vmem>>, vector<16xi32>,
    %sub3A_197 = arith.subi %masked_cumsum3A_189, %get3A_183 : vector<16xi32>
    %add3A_198 = vector.broadcast %reduce_sum3A_193 : i32 to vector<16xi32>
    %add3A_199 = arith.addi %sub3A_197, %add3A_198 : vector<16xi32>
    %swap3A_200 = arith.constant 16 : index
    %swap3A_201 = tpu.vector_load %arg13[%swap3A_200] {strides = array<i32>} : memref<32xi32, #tpu.memory_space<vmem>>, vector<16xi32>,
    tpu.vector_store %arg13[%swap3A_200], %add3A_199 {strides = array<i32>} : memref<32xi32, #tpu.memory_space<vmem>>, vector<16xi32>,
    %swap3A_202 = arith.constant 0 : index
    %swap3A_203 = tpu.vector_load %arg14[%swap3A_202] {strides = array<i32>} : memref<32xi32, #tpu.memory_space<vmem>>, vector<16xi32>,
    tpu.vector_store %arg14[%swap3A_202], %broadcast_in_dim3A_6 {strides = array<i32>} : memref<32xi32, #tpu.memory_space<vmem>>, vector<16xi32>,
    %swap3A_204 = arith.constant 16 : index
    %swap3A_205 = tpu.vector_load %arg14[%swap3A_204] {strides = array<i32>} : memref<32xi32, #tpu.memory_space<vmem>>, vector<16xi32>,
    tpu.vector_store %arg14[%swap3A_204], %broadcast_in_dim3A_6 {strides = array<i32>} : memref<32xi32, #tpu.memory_space<vmem>>, vector<16xi32>,
    %scan3A_206 = arith.constant 0 : i32
    %scan3A_207 = arith.constant 0 : i32
    %scan3A_208 = arith.constant 128 : i32
    %scan3A_209 = arith.addi %scan3A_207, %scan3A_208 : i32
    %scan3A_210 = arith.constant 1 : i32
    scf.for %scan3A_302 = %scan3A_207 to %scan3A_209 step %scan3A_210  : i32 {
      %mul3A_303 = arith.constant 16 : i32
      %mul3A_304 = arith.muli %scan3A_302, %mul3A_303 : i32
      %get3A_305 = arith.index_cast %mul3A_304 : i32 to index
      %get3A_306 = tpu.vector_load %arg7[%get3A_305] {strides = array<i32>} : memref<2048xi32, #tpu.memory_space<vmem>>, vector<16xi32>,
      %mul3A_307 = arith.constant 16 : i32
      %mul3A_308 = arith.muli %scan3A_302, %mul3A_307 : i32
      %get3A_309 = arith.index_cast %mul3A_308 : i32 to index
      %get3A_310 = tpu.vector_load %arg8[%get3A_309] {strides = array<i32>} : memref<2048xi32, #tpu.memory_space<vmem>>, vector<16xi32>,
      %shift_right_logical3A = arith.constant 20 : i32
      %shift_right_logical3A_311 = vector.broadcast %shift_right_logical3A : i32 to vector<16xi32>
      %shift_right_logical3A_312 = arith.shrui %get3A_306, %shift_right_logical3A_311 : vector<16xi32>
      %and3A = arith.constant 31 : i32
      %and3A_313 = vector.broadcast %and3A : i32 to vector<16xi32>
      %and3A_314 = arith.andi %shift_right_logical3A_312, %and3A_313 : vector<16xi32>
      %broadcast_in_dim3A_315 = arith.constant true
      %broadcast_in_dim3A_316 = vector.broadcast %broadcast_in_dim3A_315 : i1 to vector<16xi1>
      %unique3A, %unique3A_317 = tpu.scan_count mask(%broadcast_in_dim3A_316 : vector<16xi1>) value(%and3A_314 : vector<16xi32>) : vector<16xi1>, vector<16xi32>
      %gather3A = tpu.vector_load_idx %arg13[%and3A_314] : memref<32xi32, #tpu.memory_space<vmem>>[vector<16xi32>], vector<16xi32>,
      %gather3A_318 = tpu.vector_load_idx %arg14[%and3A_314] : memref<32xi32, #tpu.memory_space<vmem>>[vector<16xi32>], vector<16xi32>,
      %add3A_319 = arith.addi %gather3A, %gather3A_318 : vector<16xi32>
      %add3A_320 = arith.addi %add3A_319, %unique3A_317 : vector<16xi32>
      %sub3A_321 = arith.constant 1 : i32
      %sub3A_322 = vector.broadcast %sub3A_321 : i32 to vector<16xi32>
      %sub3A_323 = arith.subi %add3A_320, %sub3A_322 : vector<16xi32>
      tpu.vector_store_idx %arg9[%sub3A_323], %get3A_306 : memref<2048xi32, #tpu.memory_space<vmem>>[vector<16xi32>], vector<16xi32>,
      tpu.vector_store_idx %arg10[%sub3A_323], %get3A_310 : memref<2048xi32, #tpu.memory_space<vmem>>[vector<16xi32>], vector<16xi32>,
      tpu.vector_store_idx %arg14[%and3A_314], %unique3A_317 masked %unique3A {add = true} : memref<32xi32, #tpu.memory_space<vmem>>[vector<16xi32>], vector<16xi32>, vector<16xi1>
    }
    %scan3A_211 = arith.constant 128 : i32
    %swap3A_212 = arith.constant 0 : index
    %swap3A_213 = tpu.vector_load %arg12[%swap3A_212] {strides = array<i32>} : memref<32xi32, #tpu.memory_space<vmem>>, vector<16xi32>,
    tpu.vector_store %arg12[%swap3A_212], %broadcast_in_dim3A_6 {strides = array<i32>} : memref<32xi32, #tpu.memory_space<vmem>>, vector<16xi32>,
    %swap3A_214 = arith.constant 16 : index
    %swap3A_215 = tpu.vector_load %arg12[%swap3A_214] {strides = array<i32>} : memref<32xi32, #tpu.memory_space<vmem>>, vector<16xi32>,
    tpu.vector_store %arg12[%swap3A_214], %broadcast_in_dim3A_6 {strides = array<i32>} : memref<32xi32, #tpu.memory_space<vmem>>, vector<16xi32>,
    %scan3A_216 = arith.constant 0 : i32
    %scan3A_217 = arith.constant 0 : i32
    %scan3A_218 = arith.constant 128 : i32
    %scan3A_219 = arith.addi %scan3A_217, %scan3A_218 : i32
    %scan3A_220 = arith.constant 1 : i32
    scf.for %scan3A_302 = %scan3A_217 to %scan3A_219 step %scan3A_220  : i32 {
      %mul3A_303 = arith.constant 16 : i32
      %mul3A_304 = arith.muli %scan3A_302, %mul3A_303 : i32
      %get3A_305 = arith.index_cast %mul3A_304 : i32 to index
      %get3A_306 = tpu.vector_load %arg9[%get3A_305] {strides = array<i32>} : memref<2048xi32, #tpu.memory_space<vmem>>, vector<16xi32>,
      %shift_right_logical3A = arith.constant 25 : i32
      %shift_right_logical3A_307 = vector.broadcast %shift_right_logical3A : i32 to vector<16xi32>
      %shift_right_logical3A_308 = arith.shrui %get3A_306, %shift_right_logical3A_307 : vector<16xi32>
      %and3A = arith.constant 31 : i32
      %and3A_309 = vector.broadcast %and3A : i32 to vector<16xi32>
      %and3A_310 = arith.andi %shift_right_logical3A_308, %and3A_309 : vector<16xi32>
      %broadcast_in_dim3A_311 = arith.constant true
      %broadcast_in_dim3A_312 = vector.broadcast %broadcast_in_dim3A_311 : i1 to vector<16xi1>
      %unique3A, %unique3A_313 = tpu.scan_count mask(%broadcast_in_dim3A_312 : vector<16xi1>) value(%and3A_310 : vector<16xi32>) : vector<16xi1>, vector<16xi32>
      tpu.vector_store_idx %arg12[%and3A_310], %unique3A_313 masked %unique3A {add = true} : memref<32xi32, #tpu.memory_space<vmem>>[vector<16xi32>], vector<16xi32>, vector<16xi1>
    }
    %scan3A_221 = arith.constant 128 : i32
    %get3A_222 = arith.constant 0 : index
    %get3A_223 = tpu.vector_load %arg12[%get3A_222] {strides = array<i32>} : memref<32xi32, #tpu.memory_space<vmem>>, vector<16xi32>,
    %get3A_224 = arith.constant 16 : index
    %get3A_225 = tpu.vector_load %arg12[%get3A_224] {strides = array<i32>} : memref<32xi32, #tpu.memory_space<vmem>>, vector<16xi32>,
    %broadcast_in_dim3A_226 = arith.constant true
    %broadcast_in_dim3A_227 = vector.broadcast %broadcast_in_dim3A_226 : i1 to vector<16xi1>
    %masked_cumsum3A_228 = tpu.scan <sum>, %get3A_223 masked %broadcast_in_dim3A_227 : vector<16xi32>, vector<16xi1> -> vector<16xi32>
    %broadcast_in_dim3A_229 = arith.constant true
    %broadcast_in_dim3A_230 = vector.broadcast %broadcast_in_dim3A_229 : i1 to vector<16xi1>
    %masked_cumsum3A_231 = tpu.scan <sum>, %get3A_225 masked %broadcast_in_dim3A_230 : vector<16xi32>, vector<16xi1> -> vector<16xi32>
    %reduce_sum3A_232 = arith.constant true
    %reduce_sum3A_233 = vector.broadcast %reduce_sum3A_232 : i1 to vector<16xi1>
    %reduce_sum3A_234 = tpu.scan <sum>, %get3A_223 masked %reduce_sum3A_233 : vector<16xi32>, vector<16xi1> -> vector<16xi32>
    %reduce_sum3A_235 = vector.extract %reduce_sum3A_234[15] : i32 from vector<16xi32>
    %sub3A_236 = arith.subi %masked_cumsum3A_228, %get3A_223 : vector<16xi32>
    %swap3A_237 = arith.constant 0 : index
    %swap3A_238 = tpu.vector_load %arg13[%swap3A_237] {strides = array<i32>} : memref<32xi32, #tpu.memory_space<vmem>>, vector<16xi32>,
    tpu.vector_store %arg13[%swap3A_237], %sub3A_236 {strides = array<i32>} : memref<32xi32, #tpu.memory_space<vmem>>, vector<16xi32>,
    %sub3A_239 = arith.subi %masked_cumsum3A_231, %get3A_225 : vector<16xi32>
    %add3A_240 = vector.broadcast %reduce_sum3A_235 : i32 to vector<16xi32>
    %add3A_241 = arith.addi %sub3A_239, %add3A_240 : vector<16xi32>
    %swap3A_242 = arith.constant 16 : index
    %swap3A_243 = tpu.vector_load %arg13[%swap3A_242] {strides = array<i32>} : memref<32xi32, #tpu.memory_space<vmem>>, vector<16xi32>,
    tpu.vector_store %arg13[%swap3A_242], %add3A_241 {strides = array<i32>} : memref<32xi32, #tpu.memory_space<vmem>>, vector<16xi32>,
    %swap3A_244 = arith.constant 0 : index
    %swap3A_245 = tpu.vector_load %arg14[%swap3A_244] {strides = array<i32>} : memref<32xi32, #tpu.memory_space<vmem>>, vector<16xi32>,
    tpu.vector_store %arg14[%swap3A_244], %broadcast_in_dim3A_6 {strides = array<i32>} : memref<32xi32, #tpu.memory_space<vmem>>, vector<16xi32>,
    %swap3A_246 = arith.constant 16 : index
    %swap3A_247 = tpu.vector_load %arg14[%swap3A_246] {strides = array<i32>} : memref<32xi32, #tpu.memory_space<vmem>>, vector<16xi32>,
    tpu.vector_store %arg14[%swap3A_246], %broadcast_in_dim3A_6 {strides = array<i32>} : memref<32xi32, #tpu.memory_space<vmem>>, vector<16xi32>,
    %scan3A_248 = arith.constant 0 : i32
    %scan3A_249 = arith.constant 0 : i32
    %scan3A_250 = arith.constant 128 : i32
    %scan3A_251 = arith.addi %scan3A_249, %scan3A_250 : i32
    %scan3A_252 = arith.constant 1 : i32
    scf.for %scan3A_302 = %scan3A_249 to %scan3A_251 step %scan3A_252  : i32 {
      %mul3A_303 = arith.constant 16 : i32
      %mul3A_304 = arith.muli %scan3A_302, %mul3A_303 : i32
      %get3A_305 = arith.index_cast %mul3A_304 : i32 to index
      %get3A_306 = tpu.vector_load %arg9[%get3A_305] {strides = array<i32>} : memref<2048xi32, #tpu.memory_space<vmem>>, vector<16xi32>,
      %mul3A_307 = arith.constant 16 : i32
      %mul3A_308 = arith.muli %scan3A_302, %mul3A_307 : i32
      %get3A_309 = arith.index_cast %mul3A_308 : i32 to index
      %get3A_310 = tpu.vector_load %arg10[%get3A_309] {strides = array<i32>} : memref<2048xi32, #tpu.memory_space<vmem>>, vector<16xi32>,
      %shift_right_logical3A = arith.constant 25 : i32
      %shift_right_logical3A_311 = vector.broadcast %shift_right_logical3A : i32 to vector<16xi32>
      %shift_right_logical3A_312 = arith.shrui %get3A_306, %shift_right_logical3A_311 : vector<16xi32>
      %and3A = arith.constant 31 : i32
      %and3A_313 = vector.broadcast %and3A : i32 to vector<16xi32>
      %and3A_314 = arith.andi %shift_right_logical3A_312, %and3A_313 : vector<16xi32>
      %broadcast_in_dim3A_315 = arith.constant true
      %broadcast_in_dim3A_316 = vector.broadcast %broadcast_in_dim3A_315 : i1 to vector<16xi1>
      %unique3A, %unique3A_317 = tpu.scan_count mask(%broadcast_in_dim3A_316 : vector<16xi1>) value(%and3A_314 : vector<16xi32>) : vector<16xi1>, vector<16xi32>
      %gather3A = tpu.vector_load_idx %arg13[%and3A_314] : memref<32xi32, #tpu.memory_space<vmem>>[vector<16xi32>], vector<16xi32>,
      %gather3A_318 = tpu.vector_load_idx %arg14[%and3A_314] : memref<32xi32, #tpu.memory_space<vmem>>[vector<16xi32>], vector<16xi32>,
      %add3A_319 = arith.addi %gather3A, %gather3A_318 : vector<16xi32>
      %add3A_320 = arith.addi %add3A_319, %unique3A_317 : vector<16xi32>
      %sub3A_321 = arith.constant 1 : i32
      %sub3A_322 = vector.broadcast %sub3A_321 : i32 to vector<16xi32>
      %sub3A_323 = arith.subi %add3A_320, %sub3A_322 : vector<16xi32>
      tpu.vector_store_idx %arg7[%sub3A_323], %get3A_306 : memref<2048xi32, #tpu.memory_space<vmem>>[vector<16xi32>], vector<16xi32>,
      tpu.vector_store_idx %arg8[%sub3A_323], %get3A_310 : memref<2048xi32, #tpu.memory_space<vmem>>[vector<16xi32>], vector<16xi32>,
      tpu.vector_store_idx %arg14[%and3A_314], %unique3A_317 masked %unique3A {add = true} : memref<32xi32, #tpu.memory_space<vmem>>[vector<16xi32>], vector<16xi32>, vector<16xi1>
    }
    %scan3A_253 = arith.constant 128 : i32
    %swap3A_254 = arith.constant 0 : index
    %swap3A_255 = tpu.vector_load %arg12[%swap3A_254] {strides = array<i32>} : memref<32xi32, #tpu.memory_space<vmem>>, vector<16xi32>,
    tpu.vector_store %arg12[%swap3A_254], %broadcast_in_dim3A_6 {strides = array<i32>} : memref<32xi32, #tpu.memory_space<vmem>>, vector<16xi32>,
    %swap3A_256 = arith.constant 16 : index
    %swap3A_257 = tpu.vector_load %arg12[%swap3A_256] {strides = array<i32>} : memref<32xi32, #tpu.memory_space<vmem>>, vector<16xi32>,
    tpu.vector_store %arg12[%swap3A_256], %broadcast_in_dim3A_6 {strides = array<i32>} : memref<32xi32, #tpu.memory_space<vmem>>, vector<16xi32>,
    %scan3A_258 = arith.constant 0 : i32
    %scan3A_259 = arith.constant 0 : i32
    %scan3A_260 = arith.constant 128 : i32
    %scan3A_261 = arith.addi %scan3A_259, %scan3A_260 : i32
    %scan3A_262 = arith.constant 1 : i32
    scf.for %scan3A_302 = %scan3A_259 to %scan3A_261 step %scan3A_262  : i32 {
      %mul3A_303 = arith.constant 16 : i32
      %mul3A_304 = arith.muli %scan3A_302, %mul3A_303 : i32
      %get3A_305 = arith.index_cast %mul3A_304 : i32 to index
      %get3A_306 = tpu.vector_load %arg7[%get3A_305] {strides = array<i32>} : memref<2048xi32, #tpu.memory_space<vmem>>, vector<16xi32>,
      %shift_right_logical3A = arith.constant 30 : i32
      %shift_right_logical3A_307 = vector.broadcast %shift_right_logical3A : i32 to vector<16xi32>
      %shift_right_logical3A_308 = arith.shrui %get3A_306, %shift_right_logical3A_307 : vector<16xi32>
      %and3A = arith.constant 31 : i32
      %and3A_309 = vector.broadcast %and3A : i32 to vector<16xi32>
      %and3A_310 = arith.andi %shift_right_logical3A_308, %and3A_309 : vector<16xi32>
      %broadcast_in_dim3A_311 = arith.constant true
      %broadcast_in_dim3A_312 = vector.broadcast %broadcast_in_dim3A_311 : i1 to vector<16xi1>
      %unique3A, %unique3A_313 = tpu.scan_count mask(%broadcast_in_dim3A_312 : vector<16xi1>) value(%and3A_310 : vector<16xi32>) : vector<16xi1>, vector<16xi32>
      tpu.vector_store_idx %arg12[%and3A_310], %unique3A_313 masked %unique3A {add = true} : memref<32xi32, #tpu.memory_space<vmem>>[vector<16xi32>], vector<16xi32>, vector<16xi1>
    }
    %scan3A_263 = arith.constant 128 : i32
    %get3A_264 = arith.constant 0 : index
    %get3A_265 = tpu.vector_load %arg12[%get3A_264] {strides = array<i32>} : memref<32xi32, #tpu.memory_space<vmem>>, vector<16xi32>,
    %get3A_266 = arith.constant 16 : index
    %get3A_267 = tpu.vector_load %arg12[%get3A_266] {strides = array<i32>} : memref<32xi32, #tpu.memory_space<vmem>>, vector<16xi32>,
    %broadcast_in_dim3A_268 = arith.constant true
    %broadcast_in_dim3A_269 = vector.broadcast %broadcast_in_dim3A_268 : i1 to vector<16xi1>
    %masked_cumsum3A_270 = tpu.scan <sum>, %get3A_265 masked %broadcast_in_dim3A_269 : vector<16xi32>, vector<16xi1> -> vector<16xi32>
    %broadcast_in_dim3A_271 = arith.constant true
    %broadcast_in_dim3A_272 = vector.broadcast %broadcast_in_dim3A_271 : i1 to vector<16xi1>
    %masked_cumsum3A_273 = tpu.scan <sum>, %get3A_267 masked %broadcast_in_dim3A_272 : vector<16xi32>, vector<16xi1> -> vector<16xi32>
    %reduce_sum3A_274 = arith.constant true
    %reduce_sum3A_275 = vector.broadcast %reduce_sum3A_274 : i1 to vector<16xi1>
    %reduce_sum3A_276 = tpu.scan <sum>, %get3A_265 masked %reduce_sum3A_275 : vector<16xi32>, vector<16xi1> -> vector<16xi32>
    %reduce_sum3A_277 = vector.extract %reduce_sum3A_276[15] : i32 from vector<16xi32>
    %sub3A_278 = arith.subi %masked_cumsum3A_270, %get3A_265 : vector<16xi32>
    %swap3A_279 = arith.constant 0 : index
    %swap3A_280 = tpu.vector_load %arg13[%swap3A_279] {strides = array<i32>} : memref<32xi32, #tpu.memory_space<vmem>>, vector<16xi32>,
    tpu.vector_store %arg13[%swap3A_279], %sub3A_278 {strides = array<i32>} : memref<32xi32, #tpu.memory_space<vmem>>, vector<16xi32>,
    %sub3A_281 = arith.subi %masked_cumsum3A_273, %get3A_267 : vector<16xi32>
    %add3A_282 = vector.broadcast %reduce_sum3A_277 : i32 to vector<16xi32>
    %add3A_283 = arith.addi %sub3A_281, %add3A_282 : vector<16xi32>
    %swap3A_284 = arith.constant 16 : index
    %swap3A_285 = tpu.vector_load %arg13[%swap3A_284] {strides = array<i32>} : memref<32xi32, #tpu.memory_space<vmem>>, vector<16xi32>,
    tpu.vector_store %arg13[%swap3A_284], %add3A_283 {strides = array<i32>} : memref<32xi32, #tpu.memory_space<vmem>>, vector<16xi32>,
    %swap3A_286 = arith.constant 0 : index
    %swap3A_287 = tpu.vector_load %arg14[%swap3A_286] {strides = array<i32>} : memref<32xi32, #tpu.memory_space<vmem>>, vector<16xi32>,
    tpu.vector_store %arg14[%swap3A_286], %broadcast_in_dim3A_6 {strides = array<i32>} : memref<32xi32, #tpu.memory_space<vmem>>, vector<16xi32>,
    %swap3A_288 = arith.constant 16 : index
    %swap3A_289 = tpu.vector_load %arg14[%swap3A_288] {strides = array<i32>} : memref<32xi32, #tpu.memory_space<vmem>>, vector<16xi32>,
    tpu.vector_store %arg14[%swap3A_288], %broadcast_in_dim3A_6 {strides = array<i32>} : memref<32xi32, #tpu.memory_space<vmem>>, vector<16xi32>,
    %scan3A_290 = arith.constant 0 : i32
    %scan3A_291 = arith.constant 0 : i32
    %scan3A_292 = arith.constant 128 : i32
    %scan3A_293 = arith.addi %scan3A_291, %scan3A_292 : i32
    %scan3A_294 = arith.constant 1 : i32
    scf.for %scan3A_302 = %scan3A_291 to %scan3A_293 step %scan3A_294  : i32 {
      %mul3A_303 = arith.constant 16 : i32
      %mul3A_304 = arith.muli %scan3A_302, %mul3A_303 : i32
      %get3A_305 = arith.index_cast %mul3A_304 : i32 to index
      %get3A_306 = tpu.vector_load %arg7[%get3A_305] {strides = array<i32>} : memref<2048xi32, #tpu.memory_space<vmem>>, vector<16xi32>,
      %mul3A_307 = arith.constant 16 : i32
      %mul3A_308 = arith.muli %scan3A_302, %mul3A_307 : i32
      %get3A_309 = arith.index_cast %mul3A_308 : i32 to index
      %get3A_310 = tpu.vector_load %arg8[%get3A_309] {strides = array<i32>} : memref<2048xi32, #tpu.memory_space<vmem>>, vector<16xi32>,
      %shift_right_logical3A = arith.constant 30 : i32
      %shift_right_logical3A_311 = vector.broadcast %shift_right_logical3A : i32 to vector<16xi32>
      %shift_right_logical3A_312 = arith.shrui %get3A_306, %shift_right_logical3A_311 : vector<16xi32>
      %and3A = arith.constant 31 : i32
      %and3A_313 = vector.broadcast %and3A : i32 to vector<16xi32>
      %and3A_314 = arith.andi %shift_right_logical3A_312, %and3A_313 : vector<16xi32>
      %broadcast_in_dim3A_315 = arith.constant true
      %broadcast_in_dim3A_316 = vector.broadcast %broadcast_in_dim3A_315 : i1 to vector<16xi1>
      %unique3A, %unique3A_317 = tpu.scan_count mask(%broadcast_in_dim3A_316 : vector<16xi1>) value(%and3A_314 : vector<16xi32>) : vector<16xi1>, vector<16xi32>
      %gather3A = tpu.vector_load_idx %arg13[%and3A_314] : memref<32xi32, #tpu.memory_space<vmem>>[vector<16xi32>], vector<16xi32>,
      %gather3A_318 = tpu.vector_load_idx %arg14[%and3A_314] : memref<32xi32, #tpu.memory_space<vmem>>[vector<16xi32>], vector<16xi32>,
      %add3A_319 = arith.addi %gather3A, %gather3A_318 : vector<16xi32>
      %add3A_320 = arith.addi %add3A_319, %unique3A_317 : vector<16xi32>
      %sub3A_321 = arith.constant 1 : i32
      %sub3A_322 = vector.broadcast %sub3A_321 : i32 to vector<16xi32>
      %sub3A_323 = arith.subi %add3A_320, %sub3A_322 : vector<16xi32>
      tpu.vector_store_idx %arg9[%sub3A_323], %get3A_306 : memref<2048xi32, #tpu.memory_space<vmem>>[vector<16xi32>], vector<16xi32>,
      tpu.vector_store_idx %arg10[%sub3A_323], %get3A_310 : memref<2048xi32, #tpu.memory_space<vmem>>[vector<16xi32>], vector<16xi32>,
      tpu.vector_store_idx %arg14[%and3A_314], %unique3A_317 masked %unique3A {add = true} : memref<32xi32, #tpu.memory_space<vmem>>[vector<16xi32>], vector<16xi32>, vector<16xi1>
    }
    %scan3A_295 = arith.constant 128 : i32
    %scan3A_296 = arith.constant 0 : i32
    %scan3A_297 = arith.constant 0 : i32
    %scan3A_298 = arith.constant 128 : i32
    %scan3A_299 = arith.addi %scan3A_297, %scan3A_298 : i32
    %scan3A_300 = arith.constant 1 : i32
    scf.for %scan3A_302 = %scan3A_297 to %scan3A_299 step %scan3A_300  : i32 {
      %mul3A_303 = arith.constant 16 : i32
      %mul3A_304 = arith.muli %scan3A_302, %mul3A_303 : i32
      %get3A_305 = arith.index_cast %mul3A_304 : i32 to index
      %get3A_306 = tpu.vector_load %arg10[%get3A_305] {strides = array<i32>} : memref<2048xi32, #tpu.memory_space<vmem>>, vector<16xi32>,
      %gather3A = tpu.vector_load_idx %arg11[%get3A_306] : memref<2048xf32, #tpu.memory_space<vmem>>[vector<16xi32>], vector<16xf32>,
      %mul3A_307 = arith.constant 16 : i32
      %mul3A_308 = arith.muli %scan3A_302, %mul3A_307 : i32
      %swap3A_309 = arith.index_cast %mul3A_308 : i32 to index
      %swap3A_310 = tpu.vector_load %arg6[%swap3A_309] {strides = array<i32>} : memref<2048xf32, #tpu.memory_space<vmem>>, vector<16xf32>,
      tpu.vector_store %arg6[%swap3A_309], %gather3A {strides = array<i32>} : memref<2048xf32, #tpu.memory_space<vmem>>, vector<16xf32>,
    }
    %scan3A_301 = arith.constant 128 : i32
    "tpu.region"() ({
      %run_scoped3A = tpu.sem_alloc : memref<!tpu.dma_semaphore, #tpu.memory_space<semaphore_mem>>
      %dma_start3A = arith.constant 0 : i32
      %dma_start3A_302 = tpu.memref_slice %arg4[%add3A, %dma_start3A] : memref<32x2048xf32, #tpu.memory_space<hbm>> -> memref<1x2048xf32, #tpu.memory_space<hbm>>
      %dma_start3A_303 = tpu.memref_squeeze %dma_start3A_302 : memref<1x2048xf32, #tpu.memory_space<hbm>> -> memref<2048xf32, #tpu.memory_space<hbm>>
      %dma_start3A_304 = arith.constant 0 : i32
      %dma_start3A_305 = tpu.memref_slice %arg4[%add3A, %dma_start3A_304] : memref<32x2048xf32, #tpu.memory_space<hbm>> -> memref<1x2048xf32, #tpu.memory_space<hbm>>
      %dma_start3A_306 = tpu.memref_squeeze %dma_start3A_305 : memref<1x2048xf32, #tpu.memory_space<hbm>> -> memref<2048xf32, #tpu.memory_space<hbm>>
      tpu.enqueue_dma source(%arg6 : memref<2048xf32, #tpu.memory_space<vmem>>) target(%dma_start3A_306 : memref<2048xf32, #tpu.memory_space<hbm>>) target_semaphore(%run_scoped3A : memref<!tpu.dma_semaphore, #tpu.memory_space<semaphore_mem>>)
      %dma_wait3A = arith.constant 0 : i32
      %dma_wait3A_307 = tpu.memref_slice %arg4[%add3A, %dma_wait3A] : memref<32x2048xf32, #tpu.memory_space<hbm>> -> memref<1x2048xf32, #tpu.memory_space<hbm>>
      %dma_wait3A_308 = tpu.memref_squeeze %dma_wait3A_307 : memref<1x2048xf32, #tpu.memory_space<hbm>> -> memref<2048xf32, #tpu.memory_space<hbm>>
      %dma_wait3A_309 = arith.constant 0 : i32
      %dma_wait3A_310 = tpu.memref_slice %arg4[%add3A, %dma_wait3A_309] : memref<32x2048xf32, #tpu.memory_space<hbm>> -> memref<1x2048xf32, #tpu.memory_space<hbm>>
      %dma_wait3A_311 = tpu.memref_squeeze %dma_wait3A_310 : memref<1x2048xf32, #tpu.memory_space<hbm>> -> memref<2048xf32, #tpu.memory_space<hbm>>
      tpu.wait_dma2 semaphore(%run_scoped3A : memref<!tpu.dma_semaphore, #tpu.memory_space<semaphore_mem>>) src(%arg6 : memref<2048xf32, #tpu.memory_space<vmem>>) dst(%dma_wait3A_311 : memref<2048xf32, #tpu.memory_space<hbm>>)
      tpu.yield
    }) : () -> ()
    "tpu.region"() ({
      %run_scoped3A = tpu.sem_alloc : memref<!tpu.dma_semaphore, #tpu.memory_space<semaphore_mem>>
      %dma_start3A = arith.constant 0 : i32
      %dma_start3A_302 = tpu.memref_slice %arg5[%add3A, %dma_start3A] : memref<32x2048xi32, #tpu.memory_space<hbm>> -> memref<1x2048xi32, #tpu.memory_space<hbm>>
      %dma_start3A_303 = tpu.memref_squeeze %dma_start3A_302 : memref<1x2048xi32, #tpu.memory_space<hbm>> -> memref<2048xi32, #tpu.memory_space<hbm>>
      %dma_start3A_304 = arith.constant 0 : i32
      %dma_start3A_305 = tpu.memref_slice %arg5[%add3A, %dma_start3A_304] : memref<32x2048xi32, #tpu.memory_space<hbm>> -> memref<1x2048xi32, #tpu.memory_space<hbm>>
      %dma_start3A_306 = tpu.memref_squeeze %dma_start3A_305 : memref<1x2048xi32, #tpu.memory_space<hbm>> -> memref<2048xi32, #tpu.memory_space<hbm>>
      tpu.enqueue_dma source(%arg10 : memref<2048xi32, #tpu.memory_space<vmem>>) target(%dma_start3A_306 : memref<2048xi32, #tpu.memory_space<hbm>>) target_semaphore(%run_scoped3A : memref<!tpu.dma_semaphore, #tpu.memory_space<semaphore_mem>>)
      %dma_wait3A = arith.constant 0 : i32
      %dma_wait3A_307 = tpu.memref_slice %arg5[%add3A, %dma_wait3A] : memref<32x2048xi32, #tpu.memory_space<hbm>> -> memref<1x2048xi32, #tpu.memory_space<hbm>>
      %dma_wait3A_308 = tpu.memref_squeeze %dma_wait3A_307 : memref<1x2048xi32, #tpu.memory_space<hbm>> -> memref<2048xi32, #tpu.memory_space<hbm>>
      %dma_wait3A_309 = arith.constant 0 : i32
      %dma_wait3A_310 = tpu.memref_slice %arg5[%add3A, %dma_wait3A_309] : memref<32x2048xi32, #tpu.memory_space<hbm>> -> memref<1x2048xi32, #tpu.memory_space<hbm>>
      %dma_wait3A_311 = tpu.memref_squeeze %dma_wait3A_310 : memref<1x2048xi32, #tpu.memory_space<hbm>> -> memref<2048xi32, #tpu.memory_space<hbm>>
      tpu.wait_dma2 semaphore(%run_scoped3A : memref<!tpu.dma_semaphore, #tpu.memory_space<semaphore_mem>>) src(%arg10 : memref<2048xi32, #tpu.memory_space<vmem>>) dst(%dma_wait3A_311 : memref<2048xi32, #tpu.memory_space<hbm>>)
      tpu.yield
    }) : () -> ()
    return
  }
}

module attributes {stable_mosaic.version = 14 : i64} {
  func.func @_new_kernel(%arg0: i32, %arg1: memref<1x2048x512xf32, #tpu.memory_space<vmem>>, %arg2: memref<512x256xf32, #tpu.memory_space<vmem>>, %arg3: memref<1x256xf32, #tpu.memory_space<vmem>>, %arg4: memref<1x1x256xf32, #tpu.memory_space<vmem>>, %arg5: memref<1x2048x1xf32, #tpu.memory_space<vmem>>) attributes {dimension_semantics = [#tpu.dimension_semantics<arbitrary>], iteration_bounds = array<i64: 32>, scalar_prefetch = 0 : i64, scratch_operands = 0 : i64, tpu.core_type = #tpu.core_type<tc>, window_params = [{transform_indices = @transform_0, window_bounds = array<i64: 1, 2048, 512>}, {pipeline_mode = #tpu.pipeline_mode<synchronous>, transform_indices = @transform_1, window_bounds = array<i64: 512, 256>}, {pipeline_mode = #tpu.pipeline_mode<synchronous>, transform_indices = @transform_2, window_bounds = array<i64: 1, 256>}, {transform_indices = @transform_3, window_bounds = array<i64: 1, 1, 256>}, {transform_indices = @transform_4, window_bounds = array<i64: 1, 2048, 1>}]} {
    %get3A = arith.constant 0 : index
    %get3A_0 = arith.constant 0 : index
    %get3A_1 = arith.constant 0 : index
    %get3A_2 = vector.load %arg1[%get3A, %get3A_0, %get3A_1] : memref<1x2048x512xf32, #tpu.memory_space<vmem>>, vector<1x2048x512xf32>
    %get3A_3 = vector.shape_cast %get3A_2 : vector<1x2048x512xf32> to vector<2048x512xf32>
    %get3A_4 = arith.constant 0 : index
    %get3A_5 = arith.constant 0 : index
    %get3A_6 = vector.load %arg2[%get3A_4, %get3A_5] : memref<512x256xf32, #tpu.memory_space<vmem>>, vector<512x256xf32>
    %dot_general3A = arith.constant dense<0.000000e+00> : vector<2048x256xf32>
    %dot_general3A_7 = tpu.matmul %get3A_3, %get3A_6, %dot_general3A {dimension_numbers = #tpu.dot_dimension_numbers<[1], [0], [0], [1], [0, 0, 1, 1], [], []>, transpose_lhs_hint = false} : vector<2048x512xf32>, vector<512x256xf32>, vector<2048x256xf32> -> vector<2048x256xf32>
    %get3A_8 = arith.constant 0 : index
    %get3A_9 = arith.constant 0 : index
    %get3A_10 = vector.load %arg3[%get3A_8, %get3A_9] : memref<1x256xf32, #tpu.memory_space<vmem>>, vector<1x256xf32>
    %add3A = vector.broadcast %get3A_10 : vector<1x256xf32> to vector<2048x256xf32>
    %add3A_11 = arith.addf %dot_general3A_7, %add3A : vector<2048x256xf32>
    %get3A_12 = arith.constant 0 : index
    %get3A_13 = arith.constant 0 : index
    %get3A_14 = arith.constant 0 : index
    %get3A_15 = vector.load %arg4[%get3A_12, %get3A_13, %get3A_14] : memref<1x1x256xf32, #tpu.memory_space<vmem>>, vector<1x1x256xf32>
    %get3A_16 = vector.shape_cast %get3A_15 : vector<1x1x256xf32> to vector<1x256xf32>
    %mul3A = vector.broadcast %get3A_16 : vector<1x256xf32> to vector<2048x256xf32>
    %mul3A_17 = arith.mulf %add3A_11, %mul3A : vector<2048x256xf32>
    %reduce_sum3A = arith.constant dense<0.000000e+00> : vector<2048xf32>
    %reduce_sum3A_18 = vector.multi_reduction <add>, %mul3A_17, %reduce_sum3A [1] : vector<2048x256xf32> to vector<2048xf32>
    %broadcast_in_dim3A = vector.shape_cast %reduce_sum3A_18 : vector<2048xf32> to vector<2048x1xf32>
    %div3A = arith.constant 1.600000e+01 : f32
    %div3A_19 = vector.broadcast %div3A : f32 to vector<2048x1xf32>
    %div3A_20 = arith.divf %broadcast_in_dim3A, %div3A_19 : vector<2048x1xf32>
    %swap3A = arith.constant 0 : index
    %swap3A_21 = arith.constant 0 : index
    %swap3A_22 = arith.constant 0 : index
    %swap3A_23 = vector.load %arg5[%swap3A, %swap3A_21, %swap3A_22] : memref<1x2048x1xf32, #tpu.memory_space<vmem>>, vector<1x2048x1xf32>
    %swap3A_24 = vector.shape_cast %swap3A_23 : vector<1x2048x1xf32> to vector<2048x1xf32>
    %swap3A_25 = vector.shape_cast %div3A_20 : vector<2048x1xf32> to vector<1x2048x1xf32>
    tpu.vector_store %arg5[%swap3A, %swap3A_21, %swap3A_22], %swap3A_25 {strides = array<i32>} : memref<1x2048x1xf32, #tpu.memory_space<vmem>>, vector<1x2048x1xf32>,
    return
  }
  func.func @transform_0(%arg0: i32) -> (i32, i32, i32) {
    %c0_i32 = arith.constant 0 : i32
    %c0_i32_0 = arith.constant 0 : i32
    %c0_i32_1 = arith.constant 0 : i32
    return %arg0, %c0_i32, %c0_i32_0 : i32, i32, i32
  }
  func.func @transform_1(%arg0: i32) -> (i32, i32) {
    %c0_i32 = arith.constant 0 : i32
    %c0_i32_0 = arith.constant 0 : i32
    %c0_i32_1 = arith.constant 0 : i32
    return %c0_i32, %c0_i32_0 : i32, i32
  }
  func.func @transform_2(%arg0: i32) -> (i32, i32) {
    %c0_i32 = arith.constant 0 : i32
    %c0_i32_0 = arith.constant 0 : i32
    %c0_i32_1 = arith.constant 0 : i32
    return %c0_i32, %c0_i32_0 : i32, i32
  }
  func.func @transform_3(%arg0: i32) -> (i32, i32, i32) {
    %c0_i32 = arith.constant 0 : i32
    %c0_i32_0 = arith.constant 0 : i32
    %c0_i32_1 = arith.constant 0 : i32
    return %arg0, %c0_i32, %c0_i32_0 : i32, i32, i32
  }
  func.func @transform_4(%arg0: i32) -> (i32, i32, i32) {
    %c0_i32 = arith.constant 0 : i32
    %c0_i32_0 = arith.constant 0 : i32
    %c0_i32_1 = arith.constant 0 : i32
    return %arg0, %c0_i32, %c0_i32_0 : i32, i32, i32
  }
}

module attributes {stable_mosaic.version = 14 : i64} {
  func.func @_att_kernel(%arg0: memref<32x2048xf32, #tpu.memory_space<vmem>>, %arg1: memref<2048x2048xf32, #tpu.memory_space<vmem>>, %arg2: memref<1x2048xf32, #tpu.memory_space<vmem>>, %arg3: memref<32x2048xf32, #tpu.memory_space<vmem>>) attributes {dimension_semantics = [], scalar_prefetch = 0 : i64, scratch_operands = 0 : i64, tpu.core_type = #tpu.core_type<tc>} {
    %get3A = arith.constant 0 : index
    %get3A_0 = arith.constant 0 : index
    %get3A_1 = vector.load %arg0[%get3A, %get3A_0] : memref<32x2048xf32, #tpu.memory_space<vmem>>, vector<32x2048xf32>
    %get3A_2 = arith.constant 0 : index
    %get3A_3 = arith.constant 0 : index
    %get3A_4 = vector.load %arg1[%get3A_2, %get3A_3] : memref<2048x2048xf32, #tpu.memory_space<vmem>>, vector<2048x2048xf32>
    %dot_general3A = arith.constant dense<0.000000e+00> : vector<32x2048xf32>
    %dot_general3A_5 = tpu.matmul %get3A_1, %get3A_4, %dot_general3A {dimension_numbers = #tpu.dot_dimension_numbers<[1], [0], [0], [1], [0, 0, 1, 1], [], []>, transpose_lhs_hint = false} : vector<32x2048xf32>, vector<2048x2048xf32>, vector<32x2048xf32> -> vector<32x2048xf32>
    %get3A_6 = arith.constant 0 : index
    %get3A_7 = arith.constant 0 : index
    %get3A_8 = vector.load %arg2[%get3A_6, %get3A_7] : memref<1x2048xf32, #tpu.memory_space<vmem>>, vector<1x2048xf32>
    %add3A = vector.broadcast %get3A_8 : vector<1x2048xf32> to vector<32x2048xf32>
    %add3A_9 = arith.addf %dot_general3A_5, %add3A : vector<32x2048xf32>
    %swap3A = arith.constant 0 : index
    %swap3A_10 = arith.constant 0 : index
    %swap3A_11 = vector.load %arg3[%swap3A, %swap3A_10] : memref<32x2048xf32, #tpu.memory_space<vmem>>, vector<32x2048xf32>
    tpu.vector_store %arg3[%swap3A, %swap3A_10], %add3A_9 {strides = array<i32>} : memref<32x2048xf32, #tpu.memory_space<vmem>>, vector<32x2048xf32>,
    return
  }
}

module attributes {stable_mosaic.version = 14 : i64} {
  func.func @_epilogue_kernel(%arg0: memref<32x2048xf32, #tpu.memory_space<vmem>>, %arg1: memref<32x2048xf32, #tpu.memory_space<vmem>>, %arg2: memref<32x2048xi32, #tpu.memory_space<vmem>>, %arg3: memref<32x2048xf32, #tpu.memory_space<vmem>>, %arg4: memref<32x2048xf32, #tpu.memory_space<vmem>>, %arg5: memref<32x2048xf32, #tpu.memory_space<vmem>>, %arg6: memref<1x1xf32, #tpu.memory_space<vmem>>) attributes {dimension_semantics = [], scalar_prefetch = 0 : i64, scratch_operands = 0 : i64, tpu.core_type = #tpu.core_type<tc>} {
    %get3A = arith.constant 0 : index
    %get3A_0 = arith.constant 0 : index
    %get3A_1 = vector.load %arg2[%get3A, %get3A_0] : memref<32x2048xi32, #tpu.memory_space<vmem>>, vector<32x2048xi32>
    %eq3A = arith.constant 1 : i32
    %eq3A_2 = vector.broadcast %eq3A : i32 to vector<32x2048xi32>
    %eq3A_3 = arith.cmpi eq, %get3A_1, %eq3A_2 : vector<32x2048xi32>
    %get3A_4 = arith.constant 0 : index
    %get3A_5 = arith.constant 0 : index
    %get3A_6 = vector.load %arg0[%get3A_4, %get3A_5] : memref<32x2048xf32, #tpu.memory_space<vmem>>, vector<32x2048xf32>
    %get3A_7 = arith.constant 0 : index
    %get3A_8 = arith.constant 0 : index
    %get3A_9 = vector.load %arg1[%get3A_7, %get3A_8] : memref<32x2048xf32, #tpu.memory_space<vmem>>, vector<32x2048xf32>
    %mul3A = arith.mulf %get3A_6, %get3A_9 : vector<32x2048xf32>
    %jit3A = arith.constant -1.000000e+04 : f32
    %broadcast_in_dim3A = vector.broadcast %jit3A : f32 to vector<32x2048xf32>
    %select_n3A = arith.select %eq3A_3, %broadcast_in_dim3A, %mul3A : vector<32x2048xi1>, vector<32x2048xf32>
    %swap3A = arith.constant 0 : index
    %swap3A_10 = arith.constant 0 : index
    %swap3A_11 = vector.load %arg4[%swap3A, %swap3A_10] : memref<32x2048xf32, #tpu.memory_space<vmem>>, vector<32x2048xf32>
    tpu.vector_store %arg4[%swap3A, %swap3A_10], %select_n3A {strides = array<i32>} : memref<32x2048xf32, #tpu.memory_space<vmem>>, vector<32x2048xf32>,
    %reduce_max3A = arith.constant dense<0xFF800000> : vector<32xf32>
    %reduce_max3A_12 = vector.multi_reduction <maximumf>, %select_n3A, %reduce_max3A [1] : vector<32x2048xf32> to vector<32xf32>
    %broadcast_in_dim3A_13 = vector.shape_cast %reduce_max3A_12 : vector<32xf32> to vector<32x1xf32>
    %sub3A = vector.broadcast %broadcast_in_dim3A_13 : vector<32x1xf32> to vector<32x2048xf32>
    %sub3A_14 = arith.subf %select_n3A, %sub3A : vector<32x2048xf32>
    %exp3A = math.exp %sub3A_14 : vector<32x2048xf32>
    %reduce_sum3A = arith.constant dense<0.000000e+00> : vector<32xf32>
    %reduce_sum3A_15 = vector.multi_reduction <add>, %exp3A, %reduce_sum3A [1] : vector<32x2048xf32> to vector<32xf32>
    %broadcast_in_dim3A_16 = vector.shape_cast %reduce_sum3A_15 : vector<32xf32> to vector<32x1xf32>
    %div3A = vector.broadcast %broadcast_in_dim3A_16 : vector<32x1xf32> to vector<32x2048xf32>
    %div3A_17 = arith.divf %exp3A, %div3A : vector<32x2048xf32>
    %swap3A_18 = arith.constant 0 : index
    %swap3A_19 = arith.constant 0 : index
    %swap3A_20 = vector.load %arg5[%swap3A_18, %swap3A_19] : memref<32x2048xf32, #tpu.memory_space<vmem>>, vector<32x2048xf32>
    tpu.vector_store %arg5[%swap3A_18, %swap3A_19], %div3A_17 {strides = array<i32>} : memref<32x2048xf32, #tpu.memory_space<vmem>>, vector<32x2048xf32>,
    %get3A_21 = arith.constant 0 : index
    %get3A_22 = arith.constant 0 : index
    %get3A_23 = vector.load %arg3[%get3A_21, %get3A_22] : memref<32x2048xf32, #tpu.memory_space<vmem>>, vector<32x2048xf32>
    %mul3A_24 = arith.constant 8.500000e-01 : f32
    %mul3A_25 = vector.broadcast %mul3A_24 : f32 to vector<32x2048xf32>
    %mul3A_26 = arith.mulf %get3A_23, %mul3A_25 : vector<32x2048xf32>
    %add3A = arith.constant 7.32421904E-5 : f32
    %add3A_27 = vector.broadcast %add3A : f32 to vector<32x2048xf32>
    %add3A_28 = arith.addf %mul3A_26, %add3A_27 : vector<32x2048xf32>
    %sub3A_29 = vector.broadcast %broadcast_in_dim3A_13 : vector<32x1xf32> to vector<32x2048xf32>
    %sub3A_30 = arith.subf %select_n3A, %sub3A_29 : vector<32x2048xf32>
    %mul3A_31 = arith.constant -2.000000e-01 : f32
    %mul3A_32 = vector.broadcast %mul3A_31 : f32 to vector<32x2048xf32>
    %mul3A_33 = arith.mulf %mul3A_32, %sub3A_30 : vector<32x2048xf32>
    %add3A_34 = arith.constant 1.000000e+00 : f32
    %add3A_35 = vector.broadcast %add3A_34 : f32 to vector<32x2048xf32>
    %add3A_36 = arith.addf %add3A_35, %mul3A_33 : vector<32x2048xf32>
    %max3A = arith.constant 1.000000e-10 : f32
    %max3A_37 = vector.broadcast %max3A : f32 to vector<32x2048xf32>
    %max3A_38 = arith.maximumf %add3A_36, %max3A_37 : vector<32x2048xf32>
    %mul3A_39 = arith.mulf %max3A_38, %max3A_38 : vector<32x2048xf32>
    %mul3A_40 = arith.mulf %mul3A_39, %mul3A_39 : vector<32x2048xf32>
    %mul3A_41 = arith.mulf %mul3A_40, %max3A_38 : vector<32x2048xf32>
    %div3A_42 = arith.constant 1.000000e+00 : f32
    %div3A_43 = vector.broadcast %div3A_42 : f32 to vector<32x2048xf32>
    %div3A_44 = arith.divf %div3A_43, %mul3A_41 : vector<32x2048xf32>
    %reduce_sum3A_45 = arith.constant dense<0.000000e+00> : vector<32xf32>
    %reduce_sum3A_46 = vector.multi_reduction <add>, %div3A_44, %reduce_sum3A_45 [1] : vector<32x2048xf32> to vector<32xf32>
    %broadcast_in_dim3A_47 = vector.shape_cast %reduce_sum3A_46 : vector<32xf32> to vector<32x1xf32>
    %log3A = math.log %broadcast_in_dim3A_47 : vector<32x1xf32>
    %mul3A_48 = arith.constant -2.000000e-01 : f32
    %mul3A_49 = vector.broadcast %mul3A_48 : f32 to vector<32x1xf32>
    %mul3A_50 = arith.mulf %mul3A_49, %log3A : vector<32x1xf32>
    %exp3A_51 = math.exp %mul3A_50 : vector<32x1xf32>
    %mul3A_52 = vector.broadcast %exp3A_51 : vector<32x1xf32> to vector<32x2048xf32>
    %mul3A_53 = arith.mulf %sub3A_30, %mul3A_52 : vector<32x2048xf32>
    %mul3A_54 = arith.constant -2.000000e-01 : f32
    %mul3A_55 = vector.broadcast %mul3A_54 : f32 to vector<32x2048xf32>
    %mul3A_56 = arith.mulf %mul3A_55, %mul3A_53 : vector<32x2048xf32>
    %add3A_57 = arith.constant 1.000000e+00 : f32
    %add3A_58 = vector.broadcast %add3A_57 : f32 to vector<32x2048xf32>
    %add3A_59 = arith.addf %add3A_58, %mul3A_56 : vector<32x2048xf32>
    %max3A_60 = arith.constant 1.000000e-10 : f32
    %max3A_61 = vector.broadcast %max3A_60 : f32 to vector<32x2048xf32>
    %max3A_62 = arith.maximumf %add3A_59, %max3A_61 : vector<32x2048xf32>
    %mul3A_63 = arith.mulf %max3A_62, %max3A_62 : vector<32x2048xf32>
    %mul3A_64 = arith.mulf %mul3A_63, %mul3A_63 : vector<32x2048xf32>
    %mul3A_65 = arith.mulf %mul3A_64, %max3A_62 : vector<32x2048xf32>
    %div3A_66 = arith.constant 1.000000e+00 : f32
    %div3A_67 = vector.broadcast %div3A_66 : f32 to vector<32x2048xf32>
    %div3A_68 = arith.divf %div3A_67, %mul3A_65 : vector<32x2048xf32>
    %reduce_sum3A_69 = arith.constant dense<0.000000e+00> : vector<32xf32>
    %reduce_sum3A_70 = vector.multi_reduction <add>, %div3A_68, %reduce_sum3A_69 [1] : vector<32x2048xf32> to vector<32xf32>
    %broadcast_in_dim3A_71 = vector.shape_cast %reduce_sum3A_70 : vector<32xf32> to vector<32x1xf32>
    %log3A_72 = math.log %broadcast_in_dim3A_71 : vector<32x1xf32>
    %mul3A_73 = arith.constant -2.000000e-01 : f32
    %mul3A_74 = vector.broadcast %mul3A_73 : f32 to vector<32x1xf32>
    %mul3A_75 = arith.mulf %mul3A_74, %log3A_72 : vector<32x1xf32>
    %exp3A_76 = math.exp %mul3A_75 : vector<32x1xf32>
    %mul3A_77 = vector.broadcast %exp3A_76 : vector<32x1xf32> to vector<32x2048xf32>
    %mul3A_78 = arith.mulf %sub3A_30, %mul3A_77 : vector<32x2048xf32>
    %mul3A_79 = arith.constant -2.000000e-01 : f32
    %mul3A_80 = vector.broadcast %mul3A_79 : f32 to vector<32x2048xf32>
    %mul3A_81 = arith.mulf %mul3A_80, %mul3A_78 : vector<32x2048xf32>
    %add3A_82 = arith.constant 1.000000e+00 : f32
    %add3A_83 = vector.broadcast %add3A_82 : f32 to vector<32x2048xf32>
    %add3A_84 = arith.addf %add3A_83, %mul3A_81 : vector<32x2048xf32>
    %max3A_85 = arith.constant 1.000000e-10 : f32
    %max3A_86 = vector.broadcast %max3A_85 : f32 to vector<32x2048xf32>
    %max3A_87 = arith.maximumf %add3A_84, %max3A_86 : vector<32x2048xf32>
    %mul3A_88 = arith.mulf %max3A_87, %max3A_87 : vector<32x2048xf32>
    %mul3A_89 = arith.mulf %mul3A_88, %mul3A_88 : vector<32x2048xf32>
    %mul3A_90 = arith.mulf %mul3A_89, %max3A_87 : vector<32x2048xf32>
    %div3A_91 = arith.constant 1.000000e+00 : f32
    %div3A_92 = vector.broadcast %div3A_91 : f32 to vector<32x2048xf32>
    %div3A_93 = arith.divf %div3A_92, %mul3A_90 : vector<32x2048xf32>
    %reduce_sum3A_94 = arith.constant dense<0.000000e+00> : vector<32xf32>
    %reduce_sum3A_95 = vector.multi_reduction <add>, %div3A_93, %reduce_sum3A_94 [1] : vector<32x2048xf32> to vector<32xf32>
    %broadcast_in_dim3A_96 = vector.shape_cast %reduce_sum3A_95 : vector<32xf32> to vector<32x1xf32>
    %log3A_97 = math.log %broadcast_in_dim3A_96 : vector<32x1xf32>
    %mul3A_98 = arith.constant -2.000000e-01 : f32
    %mul3A_99 = vector.broadcast %mul3A_98 : f32 to vector<32x1xf32>
    %mul3A_100 = arith.mulf %mul3A_99, %log3A_97 : vector<32x1xf32>
    %exp3A_101 = math.exp %mul3A_100 : vector<32x1xf32>
    %mul3A_102 = vector.broadcast %exp3A_101 : vector<32x1xf32> to vector<32x2048xf32>
    %mul3A_103 = arith.mulf %sub3A_30, %mul3A_102 : vector<32x2048xf32>
    %mul3A_104 = arith.constant -2.000000e-01 : f32
    %mul3A_105 = vector.broadcast %mul3A_104 : f32 to vector<32x2048xf32>
    %mul3A_106 = arith.mulf %mul3A_105, %mul3A_103 : vector<32x2048xf32>
    %add3A_107 = arith.constant 1.000000e+00 : f32
    %add3A_108 = vector.broadcast %add3A_107 : f32 to vector<32x2048xf32>
    %add3A_109 = arith.addf %add3A_108, %mul3A_106 : vector<32x2048xf32>
    %max3A_110 = arith.constant 1.000000e-10 : f32
    %max3A_111 = vector.broadcast %max3A_110 : f32 to vector<32x2048xf32>
    %max3A_112 = arith.maximumf %add3A_109, %max3A_111 : vector<32x2048xf32>
    %mul3A_113 = arith.mulf %max3A_112, %max3A_112 : vector<32x2048xf32>
    %mul3A_114 = arith.mulf %mul3A_113, %mul3A_113 : vector<32x2048xf32>
    %mul3A_115 = arith.mulf %mul3A_114, %max3A_112 : vector<32x2048xf32>
    %div3A_116 = arith.constant 1.000000e+00 : f32
    %div3A_117 = vector.broadcast %div3A_116 : f32 to vector<32x2048xf32>
    %div3A_118 = arith.divf %div3A_117, %mul3A_115 : vector<32x2048xf32>
    %reduce_sum3A_119 = arith.constant dense<0.000000e+00> : vector<32xf32>
    %reduce_sum3A_120 = vector.multi_reduction <add>, %div3A_118, %reduce_sum3A_119 [1] : vector<32x2048xf32> to vector<32xf32>
    %broadcast_in_dim3A_121 = vector.shape_cast %reduce_sum3A_120 : vector<32xf32> to vector<32x1xf32>
    %log3A_122 = math.log %broadcast_in_dim3A_121 : vector<32x1xf32>
    %mul3A_123 = arith.constant -2.000000e-01 : f32
    %mul3A_124 = vector.broadcast %mul3A_123 : f32 to vector<32x1xf32>
    %mul3A_125 = arith.mulf %mul3A_124, %log3A_122 : vector<32x1xf32>
    %exp3A_126 = math.exp %mul3A_125 : vector<32x1xf32>
    %mul3A_127 = vector.broadcast %exp3A_126 : vector<32x1xf32> to vector<32x2048xf32>
    %mul3A_128 = arith.mulf %sub3A_30, %mul3A_127 : vector<32x2048xf32>
    %mul3A_129 = arith.constant -2.000000e-01 : f32
    %mul3A_130 = vector.broadcast %mul3A_129 : f32 to vector<32x2048xf32>
    %mul3A_131 = arith.mulf %mul3A_130, %mul3A_128 : vector<32x2048xf32>
    %add3A_132 = arith.constant 1.000000e+00 : f32
    %add3A_133 = vector.broadcast %add3A_132 : f32 to vector<32x2048xf32>
    %add3A_134 = arith.addf %add3A_133, %mul3A_131 : vector<32x2048xf32>
    %max3A_135 = arith.constant 1.000000e-10 : f32
    %max3A_136 = vector.broadcast %max3A_135 : f32 to vector<32x2048xf32>
    %max3A_137 = arith.maximumf %add3A_134, %max3A_136 : vector<32x2048xf32>
    %mul3A_138 = arith.mulf %max3A_137, %max3A_137 : vector<32x2048xf32>
    %mul3A_139 = arith.mulf %mul3A_138, %mul3A_138 : vector<32x2048xf32>
    %mul3A_140 = arith.mulf %mul3A_139, %max3A_137 : vector<32x2048xf32>
    %div3A_141 = arith.constant 1.000000e+00 : f32
    %div3A_142 = vector.broadcast %div3A_141 : f32 to vector<32x2048xf32>
    %div3A_143 = arith.divf %div3A_142, %mul3A_140 : vector<32x2048xf32>
    %reduce_sum3A_144 = arith.constant dense<0.000000e+00> : vector<32xf32>
    %reduce_sum3A_145 = vector.multi_reduction <add>, %div3A_143, %reduce_sum3A_144 [1] : vector<32x2048xf32> to vector<32xf32>
    %broadcast_in_dim3A_146 = vector.shape_cast %reduce_sum3A_145 : vector<32xf32> to vector<32x1xf32>
    %log3A_147 = math.log %broadcast_in_dim3A_146 : vector<32x1xf32>
    %mul3A_148 = arith.constant -2.000000e-01 : f32
    %mul3A_149 = vector.broadcast %mul3A_148 : f32 to vector<32x1xf32>
    %mul3A_150 = arith.mulf %mul3A_149, %log3A_147 : vector<32x1xf32>
    %exp3A_151 = math.exp %mul3A_150 : vector<32x1xf32>
    %mul3A_152 = vector.broadcast %exp3A_151 : vector<32x1xf32> to vector<32x2048xf32>
    %mul3A_153 = arith.mulf %sub3A_30, %mul3A_152 : vector<32x2048xf32>
    %mul3A_154 = arith.constant -2.000000e-01 : f32
    %mul3A_155 = vector.broadcast %mul3A_154 : f32 to vector<32x2048xf32>
    %mul3A_156 = arith.mulf %mul3A_155, %mul3A_153 : vector<32x2048xf32>
    %add3A_157 = arith.constant 1.000000e+00 : f32
    %add3A_158 = vector.broadcast %add3A_157 : f32 to vector<32x2048xf32>
    %add3A_159 = arith.addf %add3A_158, %mul3A_156 : vector<32x2048xf32>
    %max3A_160 = arith.constant 1.000000e-10 : f32
    %max3A_161 = vector.broadcast %max3A_160 : f32 to vector<32x2048xf32>
    %max3A_162 = arith.maximumf %add3A_159, %max3A_161 : vector<32x2048xf32>
    %mul3A_163 = arith.mulf %max3A_162, %max3A_162 : vector<32x2048xf32>
    %mul3A_164 = arith.mulf %mul3A_163, %mul3A_163 : vector<32x2048xf32>
    %mul3A_165 = arith.mulf %mul3A_164, %max3A_162 : vector<32x2048xf32>
    %div3A_166 = arith.constant 1.000000e+00 : f32
    %div3A_167 = vector.broadcast %div3A_166 : f32 to vector<32x2048xf32>
    %div3A_168 = arith.divf %div3A_167, %mul3A_165 : vector<32x2048xf32>
    %reduce_sum3A_169 = arith.constant dense<0.000000e+00> : vector<32xf32>
    %reduce_sum3A_170 = vector.multi_reduction <add>, %div3A_168, %reduce_sum3A_169 [1] : vector<32x2048xf32> to vector<32xf32>
    %broadcast_in_dim3A_171 = vector.shape_cast %reduce_sum3A_170 : vector<32xf32> to vector<32x1xf32>
    %div3A_172 = arith.constant 1.000000e+00 : f32
    %div3A_173 = vector.broadcast %div3A_172 : f32 to vector<32x1xf32>
    %div3A_174 = arith.divf %div3A_173, %broadcast_in_dim3A_171 : vector<32x1xf32>
    %log3A_175 = math.log %div3A_174 : vector<32x1xf32>
    %mul3A_176 = arith.constant -2.000000e-01 : f32
    %mul3A_177 = vector.broadcast %mul3A_176 : f32 to vector<32x1xf32>
    %mul3A_178 = arith.mulf %mul3A_177, %log3A_175 : vector<32x1xf32>
    %exp3A_179 = math.exp %mul3A_178 : vector<32x1xf32>
    %sub3A_180 = arith.constant 1.000000e+00 : f32
    %sub3A_181 = vector.broadcast %sub3A_180 : f32 to vector<32x1xf32>
    %sub3A_182 = arith.subf %exp3A_179, %sub3A_181 : vector<32x1xf32>
    %div3A_183 = arith.constant -2.000000e-01 : f32
    %div3A_184 = vector.broadcast %div3A_183 : f32 to vector<32x1xf32>
    %div3A_185 = arith.divf %sub3A_182, %div3A_184 : vector<32x1xf32>
    %neg3A = arith.constant 0.000000e+00 : f32
    %neg3A_186 = vector.broadcast %neg3A : f32 to vector<32x1xf32>
    %neg3A_187 = arith.subf %neg3A_186, %div3A_185 : vector<32x1xf32>
    %add3A_188 = arith.addf %neg3A_187, %broadcast_in_dim3A_13 : vector<32x1xf32>
    %sub3A_189 = vector.broadcast %add3A_188 : vector<32x1xf32> to vector<32x2048xf32>
    %sub3A_190 = arith.subf %select_n3A, %sub3A_189 : vector<32x2048xf32>
    %mul3A_191 = arith.constant -2.000000e-01 : f32
    %mul3A_192 = vector.broadcast %mul3A_191 : f32 to vector<32x2048xf32>
    %mul3A_193 = arith.mulf %mul3A_192, %sub3A_190 : vector<32x2048xf32>
    %add3A_194 = arith.constant 1.000000e+00 : f32
    %add3A_195 = vector.broadcast %add3A_194 : f32 to vector<32x2048xf32>
    %add3A_196 = arith.addf %add3A_195, %mul3A_193 : vector<32x2048xf32>
    %max3A_197 = arith.constant 1.000000e-10 : f32
    %max3A_198 = vector.broadcast %max3A_197 : f32 to vector<32x2048xf32>
    %max3A_199 = arith.maximumf %add3A_196, %max3A_198 : vector<32x2048xf32>
    %mul3A_200 = arith.mulf %max3A_199, %max3A_199 : vector<32x2048xf32>
    %mul3A_201 = arith.mulf %mul3A_200, %mul3A_200 : vector<32x2048xf32>
    %mul3A_202 = arith.mulf %mul3A_201, %max3A_199 : vector<32x2048xf32>
    %div3A_203 = arith.constant 1.000000e+00 : f32
    %div3A_204 = vector.broadcast %div3A_203 : f32 to vector<32x2048xf32>
    %div3A_205 = arith.divf %div3A_204, %mul3A_202 : vector<32x2048xf32>
    %add3A_206 = arith.constant 1.000000e-10 : f32
    %add3A_207 = vector.broadcast %add3A_206 : f32 to vector<32x2048xf32>
    %add3A_208 = arith.addf %add3A_28, %add3A_207 : vector<32x2048xf32>
    %add3A_209 = arith.constant 1.000000e-10 : f32
    %add3A_210 = vector.broadcast %add3A_209 : f32 to vector<32x2048xf32>
    %add3A_211 = arith.addf %div3A_205, %add3A_210 : vector<32x2048xf32>
    %log3A_212 = math.log %add3A_208 : vector<32x2048xf32>
    %mul3A_213 = arith.constant 2.000000e-01 : f32
    %mul3A_214 = vector.broadcast %mul3A_213 : f32 to vector<32x2048xf32>
    %mul3A_215 = arith.mulf %mul3A_214, %log3A_212 : vector<32x2048xf32>
    %exp3A_216 = math.exp %mul3A_215 : vector<32x2048xf32>
    %log3A_217 = math.log %add3A_211 : vector<32x2048xf32>
    %mul3A_218 = arith.constant 2.000000e-01 : f32
    %mul3A_219 = vector.broadcast %mul3A_218 : f32 to vector<32x2048xf32>
    %mul3A_220 = arith.mulf %mul3A_219, %log3A_217 : vector<32x2048xf32>
    %exp3A_221 = math.exp %mul3A_220 : vector<32x2048xf32>
    %sub3A_222 = arith.subf %exp3A_216, %exp3A_221 : vector<32x2048xf32>
    %div3A_223 = arith.constant 2.000000e-01 : f32
    %div3A_224 = vector.broadcast %div3A_223 : f32 to vector<32x2048xf32>
    %div3A_225 = arith.divf %sub3A_222, %div3A_224 : vector<32x2048xf32>
    %mul3A_226 = arith.mulf %add3A_28, %div3A_225 : vector<32x2048xf32>
    %mul3A_227 = arith.mulf %add3A_211, %exp3A_221 : vector<32x2048xf32>
    %mul3A_228 = arith.mulf %add3A_208, %exp3A_216 : vector<32x2048xf32>
    %sub3A_229 = arith.subf %mul3A_227, %mul3A_228 : vector<32x2048xf32>
    %mul3A_230 = arith.constant 0.833333313 : f32
    %mul3A_231 = vector.broadcast %mul3A_230 : f32 to vector<32x2048xf32>
    %mul3A_232 = arith.mulf %mul3A_231, %sub3A_229 : vector<32x2048xf32>
    %add3A_233 = arith.addf %mul3A_226, %mul3A_232 : vector<32x2048xf32>
    %reduce_sum3A_234 = vector.shape_cast %add3A_233 : vector<32x2048xf32> to vector<1x32x2048xf32>
    %reduce_sum3A_235 = arith.constant dense<0.000000e+00> : vector<1xf32>
    %reduce_sum3A_236 = vector.multi_reduction <add>, %reduce_sum3A_234, %reduce_sum3A_235 [1, 2] : vector<1x32x2048xf32> to vector<1xf32>
    %reduce_sum3A_237 = vector.shape_cast %reduce_sum3A_236 : vector<1xf32> to vector<1x1x1xf32>
    %reduce_sum3A_238 = vector.extract %reduce_sum3A_237[0, 0, 0] : f32 from vector<1x1x1xf32>
    %broadcast_in_dim3A_239 = vector.broadcast %reduce_sum3A_238 : f32 to vector<1x1xf32>
    %swap3A_240 = arith.constant 0 : index
    %swap3A_241 = arith.constant 0 : index
    %swap3A_242 = vector.load %arg6[%swap3A_240, %swap3A_241] : memref<1x1xf32, #tpu.memory_space<vmem>>, vector<1x1xf32>
    tpu.vector_store %arg6[%swap3A_240, %swap3A_241], %broadcast_in_dim3A_239 {strides = array<i32>} : memref<1x1xf32, #tpu.memory_space<vmem>>, vector<1x1xf32>,
    return
  }
}

</mosaic_0001>

<sc_bundles>
// kernel: kernel.6.cloned.1.call-start
scs
__scs_entry_jumppad:
0x0: {  	(pc) =	sbr.rel $0x88, $3  }
0x1: {  	(tag) =	ssettag $0x0;
	lr =	simm.s32 $0x1  }
0x2: {  	[smem:$0x3F98] =	sst lr;
	_ =	strace $0xD0000000  }
0x3: {  	_ = 	snop  }
0x4: {  	_ = 	snop  }
0x5: {  	_ = 	snop  }
0x6: {  	_ = 	snop  }
0x7: {  	_ = 	snop  }
__scs_overlays_trampoline_lowered:
0x8: {  	[smem:$0x3FA7] =	sst s0  }
0x9: {  	[smem:$0x3FA8] =	sst s1  }
0xa: {  	[smem:$0x3FA9] =	sst s2  }
0xb: {  	[smem:$0x3FAA] =	sst s3  }
0xc: {  	[smem:$0x3FAB] =	sst s4  }
0xd: {  	[smem:$0x3FAC] =	sst s5  }
0xe: {  	[smem:$0x3FAD] =	sst s6  }
0xf: {  	[smem:$0x3FAE] =	sst s7  }
0x10: {  	[smem:$0x3FAF] =	sst s8  }
0x11: {  	[smem:$0x3FB0] =	sst s9;
	s0 =	simm.s32 @!p0 $0x0  }
0x12: {  	s1 =	sld [smem:$0x3F96];
	s0 =	simm.s32 @p0 $0x1  }
0x13: {  	[smem:$0x3FB1] =	sst s0;
	s0 =	simm.s32 @!p1 $0x0  }
0x14: {  	s2 =	sld [smem:$0x3F95];
	s0 =	simm.s32 @p1 $0x1  }
0x15: {  	[smem:$0x3FB2] =	sst s0;
	s0 =	simm.s32 @!p2 $0x0  }
0x16: {  	s3 =	sld [smem:$0x3FDB];
	s0 =	simm.s32 @p2 $0x1  }
0x17: {  	s4 =	simm.s32 $0x1BF5;
	[smem:$0x3FB4] =	sst s0  }
0x18: {  	s0 =	sld [smem:$0x3F97];
	_ =	swait.ge [sflag:s4], $0x0  }
0x19: {  	s7 =	sld [smem:$0x3F98]  }
0x1a: {  	s8 =	sadd.s32 $0xFFFFE003, lr  }
0x1b: {  	s9 =	sadd.s32 $0xFFFFFEF7, lr;
	s5 =	simm.s32 $0xFFFFFFFF;
	p2 =	slt.u32 s8, $0xFFFFF086  }
0x1c: {  	p1 =	slt.u32 s9, $0xF7A;
	s5 =	simm.s32 @!p2 $0x0  }
0x1d: {  	s5 =	simm.s32 @p1 $0x1;
	p0 =	seq.s32 s7, s2  }
0x1e: {  	s7 =	smul.u32 @!p0 $0xF7A, s2;
	p2 =	seq.s32 @!p0 s5, $0x0  }
0x1f: {  	s9 =	smul.u32 $0xF7A, s1;
	s8 =	simm.s32 @!p0 $0x1BF5;
	p2 =	por !p2, p0  }
0x20: {  	[sflag:s8] =	ssyncset.s32 @!p0 $0xFFFFF086;
	s6 =	sadd.s32 @!p0 s3, s7;
	s7 =	simm.s32 @!p0 $0x108  }
0x21: {  	s3 =	sadd.s32 s3, s9;
	s6 =	sadd.s32 @!p0 $0x88, s6;
	s7 =	simm.s32 @p2 $0x1082  }
0x22: {  	[simem:s7], [sflag:s8] =	dma.local @!p0 [hbm:s6], $0xF7A  }
0x23: {  	s9 =	sor.u32 $0xD0000000, s2;
	s6 =	simm.s32 $0x108;
	_ =	swait.ge @!p0 [sflag:s8], $0x0  }
0x24: {  	s3 =	sadd.s32 $0x88, s3;
	s6 =	simm.s32 @!p1 $0x1082;
	[sflag:s4] =	ssyncset.s32 $0xFFFFF086  }
0x25: {  	[simem:s6], [sflag:s4] =	dma.local [hbm:s3], $0xF7A  }
0x26: {  	[smem:$0x3F98] =	sst s1;
	(tag) =	ssettag s2;
	_ =	strace s9  }
0x27: {  	s1 =	sld [smem:$0x3FA8]  }
0x28: {  	s2 =	sld [smem:$0x3FA9]  }
0x29: {  	s4 =	sld [smem:$0x3FAB]  }
0x2a: {  	p0 =	seq.s32 s5, $0x0;
	s5 =	sld [smem:$0x3FAC]  }
0x2b: {  	s6 =	sld [smem:$0x3FAD]  }
0x2c: {  	s7 =	sld [smem:$0x3FAE]  }
0x2d: {  	s3 =	simm.s32 $0x108;
	s8 =	sld [smem:$0x3FAF]  }
0x2e: {  	s3 =	simm.s32 @!p0 $0x1082;
	s9 =	sld [smem:$0x3FB0]  }
0x2f: {  	lr =	sadd.s32 s0, s3;
	s0 =	sld [smem:$0x3FA7]  }
0x30: {  	s3 =	sld [smem:$0x3FAA]  }
0x31: {  	[smem:$0x3FB3] =	sst s10  }
0x32: {  	s10 =	sld [smem:$0x3FB1];
	_ =	sdelay $0x3  }
0x33: {  	p0 =	seq.s32 s10, $0x1;
	s10 =	sld [smem:$0x3FB3];
	_ =	sdelay $0x3  }
0x34: {  	[smem:$0x3FB3] =	sst s10  }
0x35: {  	s10 =	sld [smem:$0x3FB2];
	_ =	sdelay $0x3  }
0x36: {  	p1 =	seq.s32 s10, $0x1;
	s10 =	sld [smem:$0x3FB3];
	_ =	sdelay $0x3  }
0x37: {  	[smem:$0x3FB3] =	sst s10  }
0x38: {  	s10 =	sld [smem:$0x3FB4]  }
0x39: {  	_ = 	snop;
	(pc) =	sbr.ind lr, $3  }
0x3a: {  	_ = 	snop  }
0x3b: {  	_ = 	snop  }
0x3c: {  	p2 =	seq.s32 s10, $0x1;
	s10 =	sld [smem:$0x3FB3]  }
0x3d: {  	_ =	shalt  }
0x3e: {  	_ =	shalt  }
0x3f: {  	_ =	shalt  }
0x40: {  	_ =	shalt  }
0x41: {  	_ =	shalt  }
0x42: {  	_ =	shalt  }
0x43: {  	_ =	shalt  }
0x44: {  	_ =	shalt  }
0x45: {  	_ =	shalt  }
0x46: {  	_ =	shalt  }
0x47: {  	_ =	shalt  }
0x48: {  	_ =	shalt  }
0x49: {  	_ =	shalt  }
0x4a: {  	_ =	shalt  }
0x4b: {  	_ =	shalt  }
0x4c: {  	_ =	shalt  }
0x4d: {  	_ =	shalt  }
0x4e: {  	_ =	shalt  }
0x4f: {  	_ =	shalt  }
0x50: {  	_ =	shalt  }
0x51: {  	_ =	shalt  }
0x52: {  	_ =	shalt  }
0x53: {  	_ =	shalt  }
0x54: {  	_ =	shalt  }
0x55: {  	_ =	shalt  }
0x56: {  	_ =	shalt  }
0x57: {  	_ =	shalt  }
0x58: {  	_ =	shalt  }
0x59: {  	_ =	shalt  }
0x5a: {  	_ =	shalt  }
0x5b: {  	_ =	shalt  }
0x5c: {  	_ =	shalt  }
0x5d: {  	_ =	shalt  }
0x5e: {  	_ =	shalt  }
0x5f: {  	_ =	shalt  }
0x60: {  	_ =	shalt  }
0x61: {  	_ =	shalt  }
0x62: {  	_ =	shalt  }
0x63: {  	_ =	shalt  }
0x64: {  	_ =	shalt  }
0x65: {  	_ =	shalt  }
0x66: {  	_ =	shalt  }
0x67: {  	_ =	shalt  }
0x68: {  	_ =	shalt  }
0x69: {  	_ =	shalt  }
0x6a: {  	_ =	shalt  }
0x6b: {  	_ =	shalt  }
0x6c: {  	_ =	shalt  }
0x6d: {  	_ =	shalt  }
0x6e: {  	_ =	shalt  }
0x6f: {  	_ =	shalt  }
0x70: {  	_ =	shalt  }
0x71: {  	_ =	shalt  }
0x72: {  	_ =	shalt  }
0x73: {  	_ =	shalt  }
0x74: {  	_ =	shalt  }
0x75: {  	_ =	shalt  }
0x76: {  	_ =	shalt  }
0x77: {  	_ =	shalt  }
0x78: {  	_ =	shalt  }
0x79: {  	_ =	shalt  }
0x7a: {  	_ =	shalt  }
0x7b: {  	_ =	shalt  }
0x7c: {  	_ =	shalt  }
0x7d: {  	_ =	shalt  }
0x7e: {  	_ =	shalt  }
0x7f: {  	_ =	shalt  }
0x80: {  	_ =	shalt  }
0x81: {  	_ =	shalt  }
0x82: {  	_ =	shalt  }
0x83: {  	_ =	shalt  }
0x84: {  	_ =	shalt  }
0x85: {  	_ =	shalt  }
0x86: {  	_ =	shalt  }
0x87: {  	_ =	shalt  }
.Lfunc_end0:
.L_simem_size_0:
called_computation_lowered:
.L_overlay_start_0:
0x88: {  	s2 =	sld [smem:$0x3FD9]  }
0x89: {  	s3 =	sld [smem:$0x3FFE];
	_ =	sdelay $0x1  }
0x8a: {  	s1 =	srdreg.scid  }
0x8b: {  	s0 =	sand.u32 $0x1, s1  }
0x8c: {  	s14 =	sshll.u32 s0, $0xA;
	s2 =	sadd.s32 s3, s2  }
0x8d: {  	s2 =	sadd.s32 s2, s14  }
0x8e: {  	[smem:$0x3FBF] =	sst s2  }
0x8f: {  	_ = 	snop  }
0x90: {  	s2 =	sld [smem:$0x3FD0];
	_ =	sdelay $0x2  }
0x91: {  	s15 =	simm.s32 $0xA;
	s4 =	simm.s32 $0x10  }
0x92: {  	[smem:s4], [sflag:s15] =	dma.local [hbm:s2], $0x1  }
0x93: {  	_ =	swait.eq [sflag:s15], $0x1  }
0x94: {  	[sflag:s15] =	ssyncset.done $0x0  }
0x95: {  	s16 =	sld [smem:$0x10];
	[sflag:s15] =	ssyncadd.s32 $0xFFFFFFFF  }
0x96: {  	s17 =	sld [smem:$0x11];
	(tm) =	ssettm $0x1  }
0x97: {  	s18 =	sld [smem:$0x3FFB];
	_ =	sdelay $0x3  }
0x98: {  	_ =	strace s18  }
0x99: {  	s4 =	sld [smem:$0x3FFC];
	_ =	sdelay $0x3  }
0x9a: {  	_ =	strace s4  }
0x9b: {  	s4 =	sld [smem:$0x3FFD];
	_ =	sdelay $0x3  }
0x9c: {  	_ =	strace s4  }
0x9d: {  	_ =	strace $0x8FFFFFFF  }
0x9e: {  	s19 =	sld [smem:$0x3FDB];
	_ =	sdelay $0x1  }
0x9f: {  	s5 =	simm.s32 $_scs_section_size  }
0xa0: {  	s6 =	simm.s32 $_size__tile_overlayer_lowered;
	s7 =	simm.s32 $_tile_overlayer_lowered  }
0xa1: {  	s22 =	simm.s32 $0x1BFF;
	s21 =	sshll.u32 s7, $0x1;
	s4 =	sadd.s32 s5, s19  }
0xa2: {  	s8 =	simm.s32 $0x0;
	s20 =	sshll.u32 s6, $0x1;
	s6 =	sadd.s32 s21, s4  }
0xa3: {  	[timem:s8], [sflag:s22] =	dma.local [hbm:s6], s20  }
0xa4: {  	_ =	swait.ge [sflag:s22], s20  }
0xa5: {  	s5 =	ssub.s32 $0x0, s20;
	[sflag:s22] =	ssyncset.done $0x0  }
0xa6: {  	[sflag:s22] =	ssyncadd.s32 s5;
	_ =	sdelay $0x1  }
0xa7: {  	s23 =	simm.s32 $0x1B8B  }
0xa8: {  	_ =	swait.ge [sflag:s23], $0x1  }
0xa9: {  	[sflag:s23] =	ssyncset.done $0x0  }
0xaa: {  	s25 =	simm.s32 $0x1B8E;
	s24 =	sld [smem:$0x3FFE];
	[sflag:s23] =	ssyncadd.s32 $0xFFFFFFFF  }
0xab: {  	s26 =	simm.s32 $execute0_lowered;
	[smem:$0x3FD2] =	sst s25  }
0xac: {  	s6 =	sshll.u32 s26, $0x1;
	_ =	strace $0x80000046;
	[dreg:$0x1] =	wrdreg $0xFFFFFFFF  }
0xad: {  	s28 =	simm.s32 $_size_execute0_lowered;
	s4 =	sadd.s32 s4, s6;
	[dreg:$0x0] =	wrdreg $0x0  }
0xae: {  	s6 =	sshll.u32 s28, $0x1;
	[dreg:$0x2] =	wrdreg s4  }
0xaf: {  	[dreg:$0x3] =	wrdreg s6  }
0xb0: {  	[dreg:$0x4] =	wrdreg $0xC0  }
0xb1: {  	_ =	task [dreg:s8], $0x5FFFF  }
0xb2: {  	[dreg:$0x1] =	wrdreg $0xFFFFFFFF  }
0xb3: {  	[dreg:$0x0] =	wrdreg $0x60  }
0xb4: {  	[dreg:$0x2] =	wrdreg s24  }
0xb5: {  	[dreg:$0x3] =	wrdreg s16  }
0xb6: {  	[dreg:$0x4] =	wrdreg s17  }
0xb7: {  	[dreg:$0x5] =	wrdreg $0x9  }
0xb8: {  	_ =	task.clear_ibuf [dreg:s8], $0x6FFFF;
	_ =	strace $0x90000046  }
0xb9: {  	s29 =	simm.s32 $0x9;
	_ =	strace $0x80000048  }
0xba: {  	_ =	swait.ge [sflag:s29], $0x1  }
0xbb: {  	[sflag:s29] =	ssyncadd.s32 $0xFFFFFFFF  }
0xbc: {  	_ =	strace $0x90000048  }
0xbd: {  	_ =	sfence  }
0xbe: {  	s30 =	sld [smem:$0x0];
	_ =	sdelay $0x2  }
0xbf: {  	s31 =	sshll.u32 s1, $0xD;
	s1 =	sshrl.u32 s1, $0x2  }
0xc0: {  	s3 =	sand.u32 $0x4000, s31;
	s1 =	sadd.s32 s1, s30  }
0xc1: {  	s0 =	sor.u32 s3, s0;
	s1 =	sshll.u32 s1, $0x11  }
0xc2: {  	s0 =	sor.u32 s1, s0  }
0xc3: {  	s0 =	sadd.s32 $0x8F2B, s0  }
0xc4: {  	[sflag:s0] =	ssyncadd.remote.s32 $0x1  }
0xc5: {  	_ =	sfence.sel $0xFFFF  }
0xc6: {  	[dreg:$0x0] =	wrdreg $0xFFFFFFFF;
	(pc) =	sbr.abs _section_cstart, $3  }
0xc7: {  	[dreg:$0x1] =	wrdreg $0xFFFFFFFF  }
0xc8: {  	_ =	task.clear_ibuf [dreg:s8], $0x2FFFF;
	_ =	strace $0x9FFFFFFF  }
0xc9: {  	(tm) =	ssettm $0x7FFFFFFF  }
tec
execute0_lowered:
.L_overlay_start_1:
0x0: {  	(tag) =	ssettag $0x1  }
0x1: {  	s3 =	rddreg [dreg:$0x0]  }
0x2: {  	s5 =	rddreg [dreg:$0x1]  }
0x3: {  	s6 =	rddreg [dreg:$0x2]  }
0x4: {  	s2 =	srdreg.scid;
	s1 =	stileid.u32  }
0x5: {  	s0 =	rddreg [dreg:$0x3];
	s10 =	simm.s32 $0x1;
	s11 =	simm.s32 $0x2800  }
0x6: {  	s12 =	simm.s32 $0x3000;
	s13 =	simm.s32 $0x3080;
	s14 =	simm.s32 $0x3100  }
0x7: {  	s15 =	simm.s32 $0x1800;
	s16 =	simm.s32 $0x2000;
	s17 =	simm.s32 $0x800  }
0x8: {  	s18 =	simm.s32 $0x1000;
	s19 =	simm.s32 $0x0;
	s4 =	sand.u32 $0x1, s2  }
0x9: {  	s29 =	sshll.u32 s1, $0x5;
	s7 =	sshll.u32 s1, $0x9;
	s2 =	simm.s32 $0x0  }
0xa: {  	s8 =	sshll.u32 s4, $0x4;
	s9 =	sand.u32 $0x60, s29;
	s7 =	sand.u32 $0x1800, s7  }
0xb: {  	[smem:$0x7FF] =	sst s2;
	s4 =	ssub.s32 $0x2, s4;
	s8 =	sor.u32 s8, s9  }
0xc: {  	_ =	strace $0x80000047;
	s30 =	sshrl.u32 s4, $0x1;
	s7 =	sor.u32 s7, s8  }
0xd: {  	s9 =	simm.s32 $0x400;
	s31 =	ssub.s32 s4, s30;
	s8 =	sadd.s32 s7, s3  }
0xe: {  	s5 =	sadd.s32 s5, s7;
	s6 =	sadd.s32 s6, s7;
	s7 =	smax.u32 s31, $0x1  }
0xf: {  	v0 =	vlaneseq.u32;
	v1 =	vimm.s32 $0x0;
	s3 =	sadd.s32 $0x1800, s8;
	s4 =	sadd.s32 $0x3800, s8;
	s8 =	simm.s32 $0x80  }
.LBB2_1:
0x10: {  	[tilespmem:s2], [sflag:$0x1] =	stream.strided.gather [hbm4b:s3+s8], $0x800, s9, s8, $0x38;
	[tilespmem:$0x3180] =	vst v63  }
0x11: {  	_ =	swait.ge [sflag:s10], $0x800  }
0x12: {  	[sflag:s10] =	ssyncset.done $0x0  }
0x13: {  	[sflag:s10] =	ssyncadd.s32 $0xFFFFF800  }
0x14: {  	[tilespmem:s11], [sflag:$0x1] =	stream.strided.gather [hbm4b:s4+s8], $0x800, s9, s8, $0x38;
	[tilespmem:$0x3180] =	vst v63  }
0x15: {  	_ =	swait.ge [sflag:s10], $0x800  }
0x16: {  	[sflag:s10] =	ssyncset.done $0x0  }
0x17: {  	[sflag:s10] =	ssyncadd.s32 $0xFFFFF800  }
0x18: {  	v2 =	vld [tilespmem:s2+$0x0];
	_ =	sdelay $0x4  }
0x19: {  	v3 =	vshra.s32 v2, $0x1F  }
0x1a: {  	v3 =	vor.u32 $0x80000000, v3  }
0x1b: {  	v2 =	vxor.u32 v3, v2  }
0x1c: {  	v2 =	vxor.u32 $0xFFFFFFFF, v2  }
0x1d: {  	[tilespmem:s17+$0x0] =	vst v2;
	v2 =	vor.u32 s2, v0  }
0x1e: {  	s20 =	simm.s32 $0x10;
	[tilespmem:s18+$0x0] =	vst v2  }
0x1f: {  	s23 =	simm.s32 $0x20;
	v2 =	vld [tilespmem:s20+$0x0]  }
0x20: {  	s22 =	simm.s32 $0x800;
	s21 =	simm.s32 $0x1000;
	s24 =	simm.s32 $0x10  }
.LBB2_2:
0x21: {  	p0 =	sne.s32 s23, $0x7F0;
	_ =	sdelay $0x2  }
0x22: {  	v3 =	vshra.s32 v2, $0x1F  }
0x23: {  	v3 =	vor.u32 $0x80000000, v3  }
0x24: {  	v2 =	vxor.u32 v3, v2  }
.Ltmp0:
0x25: {  	s22 =	sadd.s32 $0x10, s22;
	v2 =	vxor.u32 $0xFFFFFFFF, v2;
	(pc) =	sbr.rel @p0 .LBB2_2-.Ltmp0, $4  }
0x26: {  	s21 =	sadd.s32 $0x10, s21;
	[tilespmem:s22+$0x0] =	vst v2;
	v2 =	vor.u32 s20, v0;
	s20 =	smov.u32 s23  }
0x27: {  	s24 =	sadd.s32 $0x10, s24;
	[tilespmem:s21+$0x0] =	vst v2  }
0x28: {  	v2 =	vld [tilespmem:s24+$0x0]  }
0x29: {  	s23 =	sadd.s32 $0x10, s23  }
0x2a: {  	_ =	sdelay $0x2  }
0x2b: {  	v3 =	vshra.s32 v2, $0x1F  }
0x2c: {  	v3 =	vor.u32 $0x80000000, v3  }
0x2d: {  	v2 =	vxor.u32 v3, v2  }
0x2e: {  	s22 =	sadd.s32 $0x10, s22;
	v2 =	vxor.u32 $0xFFFFFFFF, v2  }
0x2f: {  	s31 =	sadd.s32 $0x10, s21;
	[tilespmem:s22+$0x0] =	vst v2;
	v2 =	vor.u32 s20, v0  }
0x30: {  	[tilespmem:s31+$0x0] =	vst v2  }
0x31: {  	[tilespmem:$0x3000] =	vst v1  }
0x32: {  	s21 =	simm.s32 $0x0;
	s20 =	simm.s32 $0x40;
	[tilespmem:$0x3010] =	vst v1  }
.LBB2_4:
0x33: {  	p0 =	sne.s32 s20, $0x1FC0;
	v2 =	vld [tilespmem:s21+$0x800];
	_ =	sdelay $0x4  }
0x34: {  	v2 =	vand.u32 $0x1F, v2  }
0x35: {  	(xrf1) =	vunique.msk.u32 $0xffff, v2;
	_ =	sdelay $0xd  }
0x36: {  	_, v3, vm0 =	vpop (xrf1);
	_ =	sdelay $0x1  }
.Ltmp1:
0x37: {  	(pc) =	sbr.rel @p0 .LBB2_4-.Ltmp1, $2  }
0x38: {  	_ =	sdelay $0x2  }
0x39: {  	s21 =	sshra.s32 s20, $0x2;
	s20 =	sadd.s32 $0x40, s20;
	[tilespmem:v2+s12+$0x0] =	vst.idx.add.s32.msk vm0, v3  }
0x3a: {  	v2 =	vld [tilespmem:s21+$0x800];
	_ =	sdelay $0x4  }
0x3b: {  	v2 =	vand.u32 $0x1F, v2  }
0x3c: {  	(xrf1) =	vunique.msk.u32 $0xffff, v2;
	_ =	sdelay $0xd  }
0x3d: {  	_, v3, vm0 =	vpop (xrf1);
	_ =	sdelay $0x5  }
0x3e: {  	[tilespmem:v2+s12+$0x0] =	vst.idx.add.s32.msk vm0, v3  }
0x3f: {  	v2 =	vld [tilespmem:$0x3000]  }
0x40: {  	v3 =	vld [tilespmem:$0x3010];
	_ =	sdelay $0x3  }
0x41: {  	(xrf0) =	vadd.scan.msk.s32 $0xffff, v2  }
0x42: {  	(xrf0) =	vadd.scan.msk.s32 $0xffff, v3;
	_ =	sdelay $0x4  }
0x43: {  	v4, _, _ =	vpop (xrf0)  }
0x44: {  	[tilespmem:$0x3100] =	vst v1;
	v5, _, _ =	vpop (xrf0);
	v6 =	vbroadcast v4, $0xF  }
0x45: {  	[tilespmem:$0x3110] =	vst v1;
	v2 =	vsub.s32 v4, v2;
	v3 =	vsub.s32 v5, v3  }
0x46: {  	[tilespmem:$0x3080] =	vst v2;
	v2 =	vadd.s32 v6, v3  }
0x47: {  	s20 =	simm.s32 $0x0;
	[tilespmem:$0x3090] =	vst v2  }
0x48: {  	v2 =	vld [tilespmem:s20+$0x800]  }
0x49: {  	v3 =	vld [tilespmem:s20+$0x1000];
	s20 =	simm.s32 $0x40  }
.LBB2_6:
0x4a: {  	p0 =	sne.s32 s20, $0x1FC0;
	_ =	sdelay $0x2  }
0x4b: {  	v4 =	vand.u32 $0x1F, v2  }
0x4c: {  	(xrf1) =	vunique.msk.u32 $0xffff, v4;
	_ =	sdelay $0x6  }
0x4d: {  	v5 =	vld.idx.msk [tilespmem:v4+s13+$0x0], $0xffff  }
0x4e: {  	v6 =	vld.idx.msk [tilespmem:v4+s14+$0x0], $0xffff;
	_ =	sdelay $0x5  }
0x4f: {  	v5 =	vadd.s32 v6, v5;
	_, v6, vm0 =	vpop (xrf1)  }
0x50: {  	v5 =	vadd.s32 v6, v5  }
0x51: {  	v5 =	vadd.s32 $0xFFFFFFFF, v5;
	_ =	sdelay $0x4  }
.Ltmp2:
0x52: {  	[tilespmem:v5+s15+$0x0] =	vst.idx.msk $0xffff, v2;
	(pc) =	sbr.rel @p0 .LBB2_6-.Ltmp2, $4  }
0x53: {  	[tilespmem:v5+s16+$0x0] =	vst.idx.msk $0xffff, v3  }
0x54: {  	s21 =	sshra.s32 s20, $0x2;
	[tilespmem:v4+s14+$0x0] =	vst.idx.add.s32.msk vm0, v6  }
0x55: {  	v2 =	vld [tilespmem:s21+$0x800]  }
0x56: {  	s20 =	sadd.s32 $0x40, s20;
	v3 =	vld [tilespmem:s21+$0x1000]  }
0x57: {  	_ =	sdelay $0x2  }
0x58: {  	v4 =	vand.u32 $0x1F, v2  }
0x59: {  	(xrf1) =	vunique.msk.u32 $0xffff, v4;
	_ =	sdelay $0x7  }
0x5a: {  	v5 =	vld.idx.msk [tilespmem:v4+s13+$0x0], $0xffff  }
0x5b: {  	v6 =	vld.idx.msk [tilespmem:v4+s14+$0x0], $0xffff;
	_ =	sdelay $0x4  }
0x5c: {  	v5 =	vadd.s32 v6, v5;
	_, v63, vm0 =	vpop (xrf1)  }
0x5d: {  	v5 =	vadd.s32 v63, v5  }
0x5e: {  	v5 =	vadd.s32 $0xFFFFFFFF, v5;
	_ =	sdelay $0x4  }
0x5f: {  	[tilespmem:v5+s15+$0x0] =	vst.idx.msk $0xffff, v2  }
0x60: {  	[tilespmem:v5+s16+$0x0] =	vst.idx.msk $0xffff, v3  }
0x61: {  	[tilespmem:v4+s14+$0x0] =	vst.idx.add.s32.msk vm0, v63  }
0x62: {  	[tilespmem:$0x3000] =	vst v1  }
0x63: {  	s21 =	simm.s32 $0x0;
	s20 =	simm.s32 $0x40;
	[tilespmem:$0x3010] =	vst v1  }
.LBB2_8:
0x64: {  	p0 =	sne.s32 s20, $0x1FC0;
	v2 =	vld [tilespmem:s21+$0x1800];
	_ =	sdelay $0x4  }
0x65: {  	v2 =	vshrl.u32 v2, $0x5  }
0x66: {  	v2 =	vand.u32 $0x1F, v2  }
0x67: {  	(xrf1) =	vunique.msk.u32 $0xffff, v2;
	_ =	sdelay $0xd  }
0x68: {  	_, v3, vm0 =	vpop (xrf1);
	_ =	sdelay $0x1  }
.Ltmp3:
0x69: {  	(pc) =	sbr.rel @p0 .LBB2_8-.Ltmp3, $2  }
0x6a: {  	_ =	sdelay $0x2  }
0x6b: {  	s21 =	sshra.s32 s20, $0x2;
	s20 =	sadd.s32 $0x40, s20;
	[tilespmem:v2+s12+$0x0] =	vst.idx.add.s32.msk vm0, v3  }
0x6c: {  	v2 =	vld [tilespmem:s21+$0x1800];
	_ =	sdelay $0x4  }
0x6d: {  	v2 =	vshrl.u32 v2, $0x5  }
0x6e: {  	v2 =	vand.u32 $0x1F, v2  }
0x6f: {  	(xrf1) =	vunique.msk.u32 $0xffff, v2;
	_ =	sdelay $0xd  }
0x70: {  	_, v3, vm0 =	vpop (xrf1);
	_ =	sdelay $0x5  }
0x71: {  	[tilespmem:v2+s12+$0x0] =	vst.idx.add.s32.msk vm0, v3  }
0x72: {  	v2 =	vld [tilespmem:$0x3000]  }
0x73: {  	v3 =	vld [tilespmem:$0x3010];
	_ =	sdelay $0x3  }
0x74: {  	(xrf0) =	vadd.scan.msk.s32 $0xffff, v2  }
0x75: {  	(xrf0) =	vadd.scan.msk.s32 $0xffff, v3;
	_ =	sdelay $0x4  }
0x76: {  	v4, _, _ =	vpop (xrf0)  }
0x77: {  	[tilespmem:$0x3100] =	vst v1;
	v5, _, _ =	vpop (xrf0);
	v6 =	vbroadcast v4, $0xF  }
0x78: {  	[tilespmem:$0x3110] =	vst v1;
	v2 =	vsub.s32 v4, v2;
	v3 =	vsub.s32 v5, v3  }
0x79: {  	[tilespmem:$0x3080] =	vst v2;
	v2 =	vadd.s32 v6, v3  }
0x7a: {  	s20 =	simm.s32 $0x0;
	[tilespmem:$0x3090] =	vst v2  }
0x7b: {  	v2 =	vld [tilespmem:s20+$0x1800]  }
0x7c: {  	v3 =	vld [tilespmem:s20+$0x2000];
	s20 =	simm.s32 $0x40  }
.LBB2_10:
0x7d: {  	p0 =	sne.s32 s20, $0x1FC0;
	_ =	sdelay $0x2  }
0x7e: {  	v4 =	vshrl.u32 v2, $0x5  }
0x7f: {  	v4 =	vand.u32 $0x1F, v4  }
0x80: {  	(xrf1) =	vunique.msk.u32 $0xffff, v4;
	_ =	sdelay $0x6  }
0x81: {  	v5 =	vld.idx.msk [tilespmem:v4+s13+$0x0], $0xffff  }
0x82: {  	v6 =	vld.idx.msk [tilespmem:v4+s14+$0x0], $0xffff;
	_ =	sdelay $0x5  }
0x83: {  	v5 =	vadd.s32 v6, v5;
	_, v6, vm0 =	vpop (xrf1)  }
0x84: {  	v5 =	vadd.s32 v6, v5  }
0x85: {  	v5 =	vadd.s32 $0xFFFFFFFF, v5;
	_ =	sdelay $0x4  }
.Ltmp4:
0x86: {  	[tilespmem:v5+s17+$0x0] =	vst.idx.msk $0xffff, v2;
	(pc) =	sbr.rel @p0 .LBB2_10-.Ltmp4, $4  }
0x87: {  	[tilespmem:v5+s18+$0x0] =	vst.idx.msk $0xffff, v3  }
0x88: {  	s21 =	sshra.s32 s20, $0x2;
	[tilespmem:v4+s14+$0x0] =	vst.idx.add.s32.msk vm0, v6  }
0x89: {  	v2 =	vld [tilespmem:s21+$0x1800]  }
0x8a: {  	s20 =	sadd.s32 $0x40, s20;
	v3 =	vld [tilespmem:s21+$0x2000]  }
0x8b: {  	_ =	sdelay $0x2  }
0x8c: {  	v4 =	vshrl.u32 v2, $0x5  }
0x8d: {  	v4 =	vand.u32 $0x1F, v4  }
0x8e: {  	(xrf1) =	vunique.msk.u32 $0xffff, v4;
	_ =	sdelay $0x7  }
0x8f: {  	v5 =	vld.idx.msk [tilespmem:v4+s13+$0x0], $0xffff  }
0x90: {  	v6 =	vld.idx.msk [tilespmem:v4+s14+$0x0], $0xffff;
	_ =	sdelay $0x4  }
0x91: {  	v5 =	vadd.s32 v6, v5;
	_, v63, vm0 =	vpop (xrf1)  }
0x92: {  	v5 =	vadd.s32 v63, v5  }
0x93: {  	v5 =	vadd.s32 $0xFFFFFFFF, v5;
	_ =	sdelay $0x4  }
0x94: {  	[tilespmem:v5+s17+$0x0] =	vst.idx.msk $0xffff, v2  }
0x95: {  	[tilespmem:v5+s18+$0x0] =	vst.idx.msk $0xffff, v3  }
0x96: {  	[tilespmem:v4+s14+$0x0] =	vst.idx.add.s32.msk vm0, v63  }
0x97: {  	[tilespmem:$0x3000] =	vst v1  }
0x98: {  	s21 =	simm.s32 $0x0;
	s20 =	simm.s32 $0x40;
	[tilespmem:$0x3010] =	vst v1  }
.LBB2_12:
0x99: {  	p0 =	sne.s32 s20, $0x1FC0;
	v2 =	vld [tilespmem:s21+$0x800];
	_ =	sdelay $0x4  }
0x9a: {  	v2 =	vshrl.u32 v2, $0xA  }
0x9b: {  	v2 =	vand.u32 $0x1F, v2  }
0x9c: {  	(xrf1) =	vunique.msk.u32 $0xffff, v2;
	_ =	sdelay $0xd  }
0x9d: {  	_, v3, vm0 =	vpop (xrf1);
	_ =	sdelay $0x1  }
.Ltmp5:
0x9e: {  	(pc) =	sbr.rel @p0 .LBB2_12-.Ltmp5, $2  }
0x9f: {  	_ =	sdelay $0x2  }
0xa0: {  	s21 =	sshra.s32 s20, $0x2;
	s20 =	sadd.s32 $0x40, s20;
	[tilespmem:v2+s12+$0x0] =	vst.idx.add.s32.msk vm0, v3  }
0xa1: {  	v2 =	vld [tilespmem:s21+$0x800];
	_ =	sdelay $0x4  }
0xa2: {  	v2 =	vshrl.u32 v2, $0xA  }
0xa3: {  	v2 =	vand.u32 $0x1F, v2  }
0xa4: {  	(xrf1) =	vunique.msk.u32 $0xffff, v2;
	_ =	sdelay $0xd  }
0xa5: {  	_, v3, vm0 =	vpop (xrf1);
	_ =	sdelay $0x5  }
0xa6: {  	[tilespmem:v2+s12+$0x0] =	vst.idx.add.s32.msk vm0, v3  }
0xa7: {  	v2 =	vld [tilespmem:$0x3000]  }
0xa8: {  	v3 =	vld [tilespmem:$0x3010];
	_ =	sdelay $0x3  }
0xa9: {  	(xrf0) =	vadd.scan.msk.s32 $0xffff, v2  }
0xaa: {  	(xrf0) =	vadd.scan.msk.s32 $0xffff, v3;
	_ =	sdelay $0x4  }
0xab: {  	v4, _, _ =	vpop (xrf0)  }
0xac: {  	[tilespmem:$0x3100] =	vst v1;
	v5, _, _ =	vpop (xrf0);
	v6 =	vbroadcast v4, $0xF  }
0xad: {  	[tilespmem:$0x3110] =	vst v1;
	v2 =	vsub.s32 v4, v2;
	v3 =	vsub.s32 v5, v3  }
0xae: {  	[tilespmem:$0x3080] =	vst v2;
	v2 =	vadd.s32 v6, v3  }
0xaf: {  	s20 =	simm.s32 $0x0;
	[tilespmem:$0x3090] =	vst v2  }
0xb0: {  	v2 =	vld [tilespmem:s20+$0x800]  }
0xb1: {  	v3 =	vld [tilespmem:s20+$0x1000];
	s20 =	simm.s32 $0x40  }
.LBB2_14:
0xb2: {  	p0 =	sne.s32 s20, $0x1FC0;
	_ =	sdelay $0x2  }
0xb3: {  	v4 =	vshrl.u32 v2, $0xA  }
0xb4: {  	v4 =	vand.u32 $0x1F, v4  }
0xb5: {  	(xrf1) =	vunique.msk.u32 $0xffff, v4;
	_ =	sdelay $0x6  }
0xb6: {  	v5 =	vld.idx.msk [tilespmem:v4+s13+$0x0], $0xffff  }
0xb7: {  	v6 =	vld.idx.msk [tilespmem:v4+s14+$0x0], $0xffff;
	_ =	sdelay $0x5  }
0xb8: {  	v5 =	vadd.s32 v6, v5;
	_, v6, vm0 =	vpop (xrf1)  }
0xb9: {  	v5 =	vadd.s32 v6, v5  }
0xba: {  	v5 =	vadd.s32 $0xFFFFFFFF, v5;
	_ =	sdelay $0x4  }
.Ltmp6:
0xbb: {  	[tilespmem:v5+s15+$0x0] =	vst.idx.msk $0xffff, v2;
	(pc) =	sbr.rel @p0 .LBB2_14-.Ltmp6, $4  }
0xbc: {  	[tilespmem:v5+s16+$0x0] =	vst.idx.msk $0xffff, v3  }
0xbd: {  	s21 =	sshra.s32 s20, $0x2;
	[tilespmem:v4+s14+$0x0] =	vst.idx.add.s32.msk vm0, v6  }
0xbe: {  	v2 =	vld [tilespmem:s21+$0x800]  }
0xbf: {  	s20 =	sadd.s32 $0x40, s20;
	v3 =	vld [tilespmem:s21+$0x1000]  }
0xc0: {  	_ =	sdelay $0x2  }
0xc1: {  	v4 =	vshrl.u32 v2, $0xA  }
0xc2: {  	v4 =	vand.u32 $0x1F, v4  }
0xc3: {  	(xrf1) =	vunique.msk.u32 $0xffff, v4;
	_ =	sdelay $0x7  }
0xc4: {  	v5 =	vld.idx.msk [tilespmem:v4+s13+$0x0], $0xffff  }
0xc5: {  	v6 =	vld.idx.msk [tilespmem:v4+s14+$0x0], $0xffff;
	_ =	sdelay $0x4  }
0xc6: {  	v5 =	vadd.s32 v6, v5;
	_, v63, vm0 =	vpop (xrf1)  }
0xc7: {  	v5 =	vadd.s32 v63, v5  }
0xc8: {  	v5 =	vadd.s32 $0xFFFFFFFF, v5;
	_ =	sdelay $0x4  }
0xc9: {  	[tilespmem:v5+s15+$0x0] =	vst.idx.msk $0xffff, v2  }
0xca: {  	[tilespmem:v5+s16+$0x0] =	vst.idx.msk $0xffff, v3  }
0xcb: {  	[tilespmem:v4+s14+$0x0] =	vst.idx.add.s32.msk vm0, v63  }
0xcc: {  	[tilespmem:$0x3000] =	vst v1  }
0xcd: {  	s21 =	simm.s32 $0x0;
	s20 =	simm.s32 $0x40;
	[tilespmem:$0x3010] =	vst v1  }
.LBB2_16:
0xce: {  	p0 =	sne.s32 s20, $0x1FC0;
	v2 =	vld [tilespmem:s21+$0x1800];
	_ =	sdelay $0x4  }
0xcf: {  	v2 =	vshrl.u32 v2, $0xF  }
0xd0: {  	v2 =	vand.u32 $0x1F, v2  }
0xd1: {  	(xrf1) =	vunique.msk.u32 $0xffff, v2;
	_ =	sdelay $0xd  }
0xd2: {  	_, v3, vm0 =	vpop (xrf1);
	_ =	sdelay $0x1  }
.Ltmp7:
0xd3: {  	(pc) =	sbr.rel @p0 .LBB2_16-.Ltmp7, $2  }
0xd4: {  	_ =	sdelay $0x2  }
0xd5: {  	s21 =	sshra.s32 s20, $0x2;
	s20 =	sadd.s32 $0x40, s20;
	[tilespmem:v2+s12+$0x0] =	vst.idx.add.s32.msk vm0, v3  }
0xd6: {  	v2 =	vld [tilespmem:s21+$0x1800];
	_ =	sdelay $0x4  }
0xd7: {  	v2 =	vshrl.u32 v2, $0xF  }
0xd8: {  	v2 =	vand.u32 $0x1F, v2  }
0xd9: {  	(xrf1) =	vunique.msk.u32 $0xffff, v2;
	_ =	sdelay $0xd  }
0xda: {  	_, v3, vm0 =	vpop (xrf1);
	_ =	sdelay $0x5  }
0xdb: {  	[tilespmem:v2+s12+$0x0] =	vst.idx.add.s32.msk vm0, v3  }
0xdc: {  	v2 =	vld [tilespmem:$0x3000]  }
0xdd: {  	v3 =	vld [tilespmem:$0x3010];
	_ =	sdelay $0x3  }
0xde: {  	(xrf0) =	vadd.scan.msk.s32 $0xffff, v2  }
0xdf: {  	(xrf0) =	vadd.scan.msk.s32 $0xffff, v3;
	_ =	sdelay $0x4  }
0xe0: {  	v4, _, _ =	vpop (xrf0)  }
0xe1: {  	[tilespmem:$0x3100] =	vst v1;
	v5, _, _ =	vpop (xrf0);
	v6 =	vbroadcast v4, $0xF  }
0xe2: {  	[tilespmem:$0x3110] =	vst v1;
	v2 =	vsub.s32 v4, v2;
	v3 =	vsub.s32 v5, v3  }
0xe3: {  	[tilespmem:$0x3080] =	vst v2;
	v2 =	vadd.s32 v6, v3  }
0xe4: {  	s20 =	simm.s32 $0x0;
	[tilespmem:$0x3090] =	vst v2  }
0xe5: {  	v2 =	vld [tilespmem:s20+$0x1800]  }
0xe6: {  	v3 =	vld [tilespmem:s20+$0x2000];
	s20 =	simm.s32 $0x40  }
.LBB2_18:
0xe7: {  	p0 =	sne.s32 s20, $0x1FC0;
	_ =	sdelay $0x2  }
0xe8: {  	v4 =	vshrl.u32 v2, $0xF  }
0xe9: {  	v4 =	vand.u32 $0x1F, v4  }
0xea: {  	(xrf1) =	vunique.msk.u32 $0xffff, v4;
	_ =	sdelay $0x6  }
0xeb: {  	v5 =	vld.idx.msk [tilespmem:v4+s13+$0x0], $0xffff  }
0xec: {  	v6 =	vld.idx.msk [tilespmem:v4+s14+$0x0], $0xffff;
	_ =	sdelay $0x5  }
0xed: {  	v5 =	vadd.s32 v6, v5;
	_, v6, vm0 =	vpop (xrf1)  }
0xee: {  	v5 =	vadd.s32 v6, v5  }
0xef: {  	v5 =	vadd.s32 $0xFFFFFFFF, v5;
	_ =	sdelay $0x4  }
.Ltmp8:
0xf0: {  	[tilespmem:v5+s17+$0x0] =	vst.idx.msk $0xffff, v2;
	(pc) =	sbr.rel @p0 .LBB2_18-.Ltmp8, $4  }
0xf1: {  	[tilespmem:v5+s18+$0x0] =	vst.idx.msk $0xffff, v3  }
0xf2: {  	s21 =	sshra.s32 s20, $0x2;
	[tilespmem:v4+s14+$0x0] =	vst.idx.add.s32.msk vm0, v6  }
0xf3: {  	v2 =	vld [tilespmem:s21+$0x1800]  }
0xf4: {  	s20 =	sadd.s32 $0x40, s20;
	v3 =	vld [tilespmem:s21+$0x2000]  }
0xf5: {  	_ =	sdelay $0x2  }
0xf6: {  	v4 =	vshrl.u32 v2, $0xF  }
0xf7: {  	v4 =	vand.u32 $0x1F, v4  }
0xf8: {  	(xrf1) =	vunique.msk.u32 $0xffff, v4;
	_ =	sdelay $0x7  }
0xf9: {  	v5 =	vld.idx.msk [tilespmem:v4+s13+$0x0], $0xffff  }
0xfa: {  	v6 =	vld.idx.msk [tilespmem:v4+s14+$0x0], $0xffff;
	_ =	sdelay $0x4  }
0xfb: {  	v5 =	vadd.s32 v6, v5;
	_, v63, vm0 =	vpop (xrf1)  }
0xfc: {  	v5 =	vadd.s32 v63, v5  }
0xfd: {  	v5 =	vadd.s32 $0xFFFFFFFF, v5;
	_ =	sdelay $0x4  }
0xfe: {  	[tilespmem:v5+s17+$0x0] =	vst.idx.msk $0xffff, v2  }
0xff: {  	[tilespmem:v5+s18+$0x0] =	vst.idx.msk $0xffff, v3  }
0x100: {  	[tilespmem:v4+s14+$0x0] =	vst.idx.add.s32.msk vm0, v63  }
0x101: {  	[tilespmem:$0x3000] =	vst v1  }
0x102: {  	s21 =	simm.s32 $0x0;
	s20 =	simm.s32 $0x40;
	[tilespmem:$0x3010] =	vst v1  }
.LBB2_20:
0x103: {  	p0 =	sne.s32 s20, $0x1FC0;
	v2 =	vld [tilespmem:s21+$0x800];
	_ =	sdelay $0x4  }
0x104: {  	v2 =	vshrl.u32 v2, $0x14  }
0x105: {  	v2 =	vand.u32 $0x1F, v2  }
0x106: {  	(xrf1) =	vunique.msk.u32 $0xffff, v2;
	_ =	sdelay $0xd  }
0x107: {  	_, v3, vm0 =	vpop (xrf1);
	_ =	sdelay $0x1  }
.Ltmp9:
0x108: {  	(pc) =	sbr.rel @p0 .LBB2_20-.Ltmp9, $2  }
0x109: {  	_ =	sdelay $0x2  }
0x10a: {  	s21 =	sshra.s32 s20, $0x2;
	s20 =	sadd.s32 $0x40, s20;
	[tilespmem:v2+s12+$0x0] =	vst.idx.add.s32.msk vm0, v3  }
0x10b: {  	v2 =	vld [tilespmem:s21+$0x800];
	_ =	sdelay $0x4  }
0x10c: {  	v2 =	vshrl.u32 v2, $0x14  }
0x10d: {  	v2 =	vand.u32 $0x1F, v2  }
0x10e: {  	(xrf1) =	vunique.msk.u32 $0xffff, v2;
	_ =	sdelay $0xd  }
0x10f: {  	_, v3, vm0 =	vpop (xrf1);
	_ =	sdelay $0x5  }
0x110: {  	[tilespmem:v2+s12+$0x0] =	vst.idx.add.s32.msk vm0, v3  }
0x111: {  	v2 =	vld [tilespmem:$0x3000]  }
0x112: {  	v3 =	vld [tilespmem:$0x3010];
	_ =	sdelay $0x3  }
0x113: {  	(xrf0) =	vadd.scan.msk.s32 $0xffff, v2  }
0x114: {  	(xrf0) =	vadd.scan.msk.s32 $0xffff, v3;
	_ =	sdelay $0x4  }
0x115: {  	v4, _, _ =	vpop (xrf0)  }
0x116: {  	[tilespmem:$0x3100] =	vst v1;
	v5, _, _ =	vpop (xrf0);
	v6 =	vbroadcast v4, $0xF  }
0x117: {  	[tilespmem:$0x3110] =	vst v1;
	v2 =	vsub.s32 v4, v2;
	v3 =	vsub.s32 v5, v3  }
0x118: {  	[tilespmem:$0x3080] =	vst v2;
	v2 =	vadd.s32 v6, v3  }
0x119: {  	s20 =	simm.s32 $0x0;
	[tilespmem:$0x3090] =	vst v2  }
0x11a: {  	v2 =	vld [tilespmem:s20+$0x800]  }
0x11b: {  	v3 =	vld [tilespmem:s20+$0x1000];
	s20 =	simm.s32 $0x40  }
.LBB2_22:
0x11c: {  	p0 =	sne.s32 s20, $0x1FC0;
	_ =	sdelay $0x2  }
0x11d: {  	v4 =	vshrl.u32 v2, $0x14  }
0x11e: {  	v4 =	vand.u32 $0x1F, v4  }
0x11f: {  	(xrf1) =	vunique.msk.u32 $0xffff, v4;
	_ =	sdelay $0x6  }
0x120: {  	v5 =	vld.idx.msk [tilespmem:v4+s13+$0x0], $0xffff  }
0x121: {  	v6 =	vld.idx.msk [tilespmem:v4+s14+$0x0], $0xffff;
	_ =	sdelay $0x5  }
0x122: {  	v5 =	vadd.s32 v6, v5;
	_, v6, vm0 =	vpop (xrf1)  }
0x123: {  	v5 =	vadd.s32 v6, v5  }
0x124: {  	v5 =	vadd.s32 $0xFFFFFFFF, v5;
	_ =	sdelay $0x4  }
.Ltmp10:
0x125: {  	[tilespmem:v5+s15+$0x0] =	vst.idx.msk $0xffff, v2;
	(pc) =	sbr.rel @p0 .LBB2_22-.Ltmp10, $4  }
0x126: {  	[tilespmem:v5+s16+$0x0] =	vst.idx.msk $0xffff, v3  }
0x127: {  	s21 =	sshra.s32 s20, $0x2;
	[tilespmem:v4+s14+$0x0] =	vst.idx.add.s32.msk vm0, v6  }
0x128: {  	v2 =	vld [tilespmem:s21+$0x800]  }
0x129: {  	s20 =	sadd.s32 $0x40, s20;
	v3 =	vld [tilespmem:s21+$0x1000]  }
0x12a: {  	_ =	sdelay $0x2  }
0x12b: {  	v4 =	vshrl.u32 v2, $0x14  }
0x12c: {  	v4 =	vand.u32 $0x1F, v4  }
0x12d: {  	(xrf1) =	vunique.msk.u32 $0xffff, v4;
	_ =	sdelay $0x7  }
0x12e: {  	v5 =	vld.idx.msk [tilespmem:v4+s13+$0x0], $0xffff  }
0x12f: {  	v6 =	vld.idx.msk [tilespmem:v4+s14+$0x0], $0xffff;
	_ =	sdelay $0x4  }
0x130: {  	v5 =	vadd.s32 v6, v5;
	_, v63, vm0 =	vpop (xrf1)  }
0x131: {  	v5 =	vadd.s32 v63, v5  }
0x132: {  	v5 =	vadd.s32 $0xFFFFFFFF, v5;
	_ =	sdelay $0x4  }
0x133: {  	[tilespmem:v5+s15+$0x0] =	vst.idx.msk $0xffff, v2  }
0x134: {  	[tilespmem:v5+s16+$0x0] =	vst.idx.msk $0xffff, v3  }
0x135: {  	[tilespmem:v4+s14+$0x0] =	vst.idx.add.s32.msk vm0, v63  }
0x136: {  	[tilespmem:$0x3000] =	vst v1  }
0x137: {  	s21 =	simm.s32 $0x0;
	s20 =	simm.s32 $0x40;
	[tilespmem:$0x3010] =	vst v1  }
.LBB2_24:
0x138: {  	p0 =	sne.s32 s20, $0x1FC0;
	v2 =	vld [tilespmem:s21+$0x1800];
	_ =	sdelay $0x4  }
0x139: {  	v2 =	vshrl.u32 v2, $0x19  }
0x13a: {  	v2 =	vand.u32 $0x1F, v2  }
0x13b: {  	(xrf1) =	vunique.msk.u32 $0xffff, v2;
	_ =	sdelay $0xd  }
0x13c: {  	_, v3, vm0 =	vpop (xrf1);
	_ =	sdelay $0x1  }
.Ltmp11:
0x13d: {  	(pc) =	sbr.rel @p0 .LBB2_24-.Ltmp11, $2  }
0x13e: {  	_ =	sdelay $0x2  }
0x13f: {  	s21 =	sshra.s32 s20, $0x2;
	s20 =	sadd.s32 $0x40, s20;
	[tilespmem:v2+s12+$0x0] =	vst.idx.add.s32.msk vm0, v3  }
0x140: {  	v2 =	vld [tilespmem:s21+$0x1800];
	_ =	sdelay $0x4  }
0x141: {  	v2 =	vshrl.u32 v2, $0x19  }
0x142: {  	v2 =	vand.u32 $0x1F, v2  }
0x143: {  	(xrf1) =	vunique.msk.u32 $0xffff, v2;
	_ =	sdelay $0xd  }
0x144: {  	_, v3, vm0 =	vpop (xrf1);
	_ =	sdelay $0x5  }
0x145: {  	[tilespmem:v2+s12+$0x0] =	vst.idx.add.s32.msk vm0, v3  }
0x146: {  	v2 =	vld [tilespmem:$0x3000]  }
0x147: {  	v3 =	vld [tilespmem:$0x3010];
	_ =	sdelay $0x3  }
0x148: {  	(xrf0) =	vadd.scan.msk.s32 $0xffff, v2  }
0x149: {  	(xrf0) =	vadd.scan.msk.s32 $0xffff, v3;
	_ =	sdelay $0x4  }
0x14a: {  	v4, _, _ =	vpop (xrf0)  }
0x14b: {  	[tilespmem:$0x3100] =	vst v1;
	v5, _, _ =	vpop (xrf0);
	v6 =	vbroadcast v4, $0xF  }
0x14c: {  	[tilespmem:$0x3110] =	vst v1;
	v2 =	vsub.s32 v4, v2;
	v3 =	vsub.s32 v5, v3  }
0x14d: {  	[tilespmem:$0x3080] =	vst v2;
	v2 =	vadd.s32 v6, v3  }
0x14e: {  	s20 =	simm.s32 $0x0;
	[tilespmem:$0x3090] =	vst v2  }
0x14f: {  	v2 =	vld [tilespmem:s20+$0x1800]  }
0x150: {  	v3 =	vld [tilespmem:s20+$0x2000];
	s20 =	simm.s32 $0x40  }
.LBB2_26:
0x151: {  	p0 =	sne.s32 s20, $0x1FC0;
	_ =	sdelay $0x2  }
0x152: {  	v4 =	vshrl.u32 v2, $0x19  }
0x153: {  	v4 =	vand.u32 $0x1F, v4  }
0x154: {  	(xrf1) =	vunique.msk.u32 $0xffff, v4;
	_ =	sdelay $0x6  }
0x155: {  	v5 =	vld.idx.msk [tilespmem:v4+s13+$0x0], $0xffff  }
0x156: {  	v6 =	vld.idx.msk [tilespmem:v4+s14+$0x0], $0xffff;
	_ =	sdelay $0x5  }
0x157: {  	v5 =	vadd.s32 v6, v5;
	_, v6, vm0 =	vpop (xrf1)  }
0x158: {  	v5 =	vadd.s32 v6, v5  }
0x159: {  	v5 =	vadd.s32 $0xFFFFFFFF, v5;
	_ =	sdelay $0x4  }
.Ltmp12:
0x15a: {  	[tilespmem:v5+s17+$0x0] =	vst.idx.msk $0xffff, v2;
	(pc) =	sbr.rel @p0 .LBB2_26-.Ltmp12, $4  }
0x15b: {  	[tilespmem:v5+s18+$0x0] =	vst.idx.msk $0xffff, v3  }
0x15c: {  	s21 =	sshra.s32 s20, $0x2;
	[tilespmem:v4+s14+$0x0] =	vst.idx.add.s32.msk vm0, v6  }
0x15d: {  	v2 =	vld [tilespmem:s21+$0x1800]  }
0x15e: {  	s20 =	sadd.s32 $0x40, s20;
	v3 =	vld [tilespmem:s21+$0x2000]  }
0x15f: {  	_ =	sdelay $0x2  }
0x160: {  	v4 =	vshrl.u32 v2, $0x19  }
0x161: {  	v4 =	vand.u32 $0x1F, v4  }
0x162: {  	(xrf1) =	vunique.msk.u32 $0xffff, v4;
	_ =	sdelay $0x7  }
0x163: {  	v5 =	vld.idx.msk [tilespmem:v4+s13+$0x0], $0xffff  }
0x164: {  	v6 =	vld.idx.msk [tilespmem:v4+s14+$0x0], $0xffff;
	_ =	sdelay $0x4  }
0x165: {  	v5 =	vadd.s32 v6, v5;
	_, v63, vm0 =	vpop (xrf1)  }
0x166: {  	v5 =	vadd.s32 v63, v5  }
0x167: {  	v5 =	vadd.s32 $0xFFFFFFFF, v5;
	_ =	sdelay $0x4  }
0x168: {  	[tilespmem:v5+s17+$0x0] =	vst.idx.msk $0xffff, v2  }
0x169: {  	[tilespmem:v5+s18+$0x0] =	vst.idx.msk $0xffff, v3  }
0x16a: {  	[tilespmem:v4+s14+$0x0] =	vst.idx.add.s32.msk vm0, v63  }
0x16b: {  	[tilespmem:$0x3000] =	vst v1  }
0x16c: {  	s21 =	simm.s32 $0x0;
	s20 =	simm.s32 $0x40;
	[tilespmem:$0x3010] =	vst v1  }
.LBB2_28:
0x16d: {  	p0 =	sne.s32 s20, $0x1FC0;
	v2 =	vld [tilespmem:s21+$0x800];
	_ =	sdelay $0x4  }
0x16e: {  	v2 =	vshrl.u32 v2, $0x1E  }
0x16f: {  	(xrf1) =	vunique.msk.u32 $0xffff, v2;
	_ =	sdelay $0xd  }
0x170: {  	_, v3, vm0 =	vpop (xrf1);
	_ =	sdelay $0x1  }
.Ltmp13:
0x171: {  	(pc) =	sbr.rel @p0 .LBB2_28-.Ltmp13, $2  }
0x172: {  	_ =	sdelay $0x2  }
0x173: {  	s21 =	sshra.s32 s20, $0x2;
	s20 =	sadd.s32 $0x40, s20;
	[tilespmem:v2+s12+$0x0] =	vst.idx.add.s32.msk vm0, v3  }
0x174: {  	v2 =	vld [tilespmem:s21+$0x800];
	_ =	sdelay $0x4  }
0x175: {  	v2 =	vshrl.u32 v2, $0x1E  }
0x176: {  	(xrf1) =	vunique.msk.u32 $0xffff, v2;
	_ =	sdelay $0xd  }
0x177: {  	_, v3, vm0 =	vpop (xrf1);
	_ =	sdelay $0x5  }
0x178: {  	[tilespmem:v2+s12+$0x0] =	vst.idx.add.s32.msk vm0, v3  }
0x179: {  	v2 =	vld [tilespmem:$0x3000]  }
0x17a: {  	v3 =	vld [tilespmem:$0x3010];
	_ =	sdelay $0x3  }
0x17b: {  	(xrf0) =	vadd.scan.msk.s32 $0xffff, v2  }
0x17c: {  	(xrf0) =	vadd.scan.msk.s32 $0xffff, v3;
	_ =	sdelay $0x4  }
0x17d: {  	v4, _, _ =	vpop (xrf0)  }
0x17e: {  	[tilespmem:$0x3100] =	vst v1;
	v5, _, _ =	vpop (xrf0);
	v6 =	vbroadcast v4, $0xF  }
0x17f: {  	[tilespmem:$0x3110] =	vst v1;
	v2 =	vsub.s32 v4, v2;
	v3 =	vsub.s32 v5, v3  }
0x180: {  	[tilespmem:$0x3080] =	vst v2;
	v2 =	vadd.s32 v6, v3  }
0x181: {  	s20 =	simm.s32 $0x0;
	[tilespmem:$0x3090] =	vst v2  }
0x182: {  	v2 =	vld [tilespmem:s20+$0x800]  }
0x183: {  	s21 =	simm.s32 $0x40;
	v3 =	vld [tilespmem:s20+$0x1000]  }
.LBB2_30:
0x184: {  	p0 =	sne.s32 s21, $0x1FC0;
	_ =	sdelay $0x2  }
0x185: {  	v4 =	vshrl.u32 v2, $0x1E  }
0x186: {  	(xrf1) =	vunique.msk.u32 $0xffff, v4;
	_ =	sdelay $0x6  }
0x187: {  	v5 =	vld.idx.msk [tilespmem:v4+s13+$0x0], $0xffff  }
0x188: {  	v6 =	vld.idx.msk [tilespmem:v4+s14+$0x0], $0xffff;
	_ =	sdelay $0x5  }
0x189: {  	v5 =	vadd.s32 v6, v5;
	_, v6, vm0 =	vpop (xrf1)  }
0x18a: {  	v5 =	vadd.s32 v6, v5  }
0x18b: {  	v5 =	vadd.s32 $0xFFFFFFFF, v5;
	_ =	sdelay $0x4  }
.Ltmp14:
0x18c: {  	[tilespmem:v5+s15+$0x0] =	vst.idx.msk $0xffff, v2;
	(pc) =	sbr.rel @p0 .LBB2_30-.Ltmp14, $4  }
0x18d: {  	[tilespmem:v5+s16+$0x0] =	vst.idx.msk $0xffff, v3  }
0x18e: {  	s22 =	sshra.s32 s21, $0x2;
	[tilespmem:v4+s14+$0x0] =	vst.idx.add.s32.msk vm0, v6  }
0x18f: {  	v2 =	vld [tilespmem:s22+$0x800]  }
0x190: {  	s21 =	sadd.s32 $0x40, s21;
	v3 =	vld [tilespmem:s22+$0x1000]  }
0x191: {  	_ =	sdelay $0x2  }
0x192: {  	v4 =	vshrl.u32 v2, $0x1E  }
0x193: {  	(xrf1) =	vunique.msk.u32 $0xffff, v4;
	_ =	sdelay $0x7  }
0x194: {  	v5 =	vld.idx.msk [tilespmem:v4+s13+$0x0], $0xffff  }
0x195: {  	v6 =	vld.idx.msk [tilespmem:v4+s14+$0x0], $0xffff;
	_ =	sdelay $0x4  }
0x196: {  	v5 =	vadd.s32 v6, v5;
	_, v63, vm0 =	vpop (xrf1)  }
0x197: {  	v5 =	vadd.s32 v63, v5  }
0x198: {  	v5 =	vadd.s32 $0xFFFFFFFF, v5;
	_ =	sdelay $0x4  }
0x199: {  	[tilespmem:v5+s15+$0x0] =	vst.idx.msk $0xffff, v2  }
0x19a: {  	[tilespmem:v5+s16+$0x0] =	vst.idx.msk $0xffff, v3  }
0x19b: {  	[tilespmem:v4+s14+$0x0] =	vst.idx.add.s32.msk vm0, v63  }
0x19c: {  	v2 =	vld [tilespmem:s20+$0x2000];
	_ =	sdelay $0x7  }
0x19d: {  	s21 =	simm.s32 $0x10;
	s22 =	simm.s32 $0x80;
	v2 =	vld.idx.msk [tilespmem:v2+s11+$0x0], $0xffff  }
.LBB2_32:
0x19e: {  	p0 =	sne.s32 s22, $0x1FC0;
	v3 =	vld [tilespmem:s21+$0x2000];
	_ =	sdelay $0x3  }
.Ltmp15:
0x19f: {  	(pc) =	sbr.rel @p0 .LBB2_32-.Ltmp15, $2  }
0x1a0: {  	[tilespmem:s20+$0x0] =	vst v2;
	s20 =	smov.u32 s21;
	_ =	sdelay $0x2  }
0x1a1: {  	s21 =	sshra.s32 s22, $0x2;
	s22 =	sadd.s32 $0x40, s22;
	v2 =	vld.idx.msk [tilespmem:v3+s11+$0x0], $0xffff  }
0x1a2: {  	v3 =	vld [tilespmem:s21+$0x2000];
	_ =	sdelay $0x6  }
0x1a3: {  	[tilespmem:s20+$0x0] =	vst v2  }
0x1a4: {  	v2 =	vld.idx.msk [tilespmem:v3+s11+$0x0], $0xffff;
	_ =	sdelay $0x4  }
0x1a5: {  	[tilespmem:s21+$0x0] =	vst v2  }
0x1a6: {  	[hbm4b:s5+s8] =	stream.strided.scatter [tilespmem:s2], [sflag:$0x1], $0x800, s9, s8, $0x38;
	[tilespmem:$0x3180] =	vst v63  }
0x1a7: {  	s19 =	sadd.s32 $0x1, s19;
	_ =	swait.ge [sflag:s10], $0x800  }
0x1a8: {  	p0 =	sne.s32 s19, s7;
	[sflag:s10] =	ssyncset.done $0x0  }
.Ltmp16:
0x1a9: {  	[sflag:s10] =	ssyncadd.s32 $0xFFFFF800;
	(pc) =	sbr.rel @p0 .LBB2_1-.Ltmp16, $4  }
0x1aa: {  	[hbm4b:s6+s8] =	stream.strided.scatter [tilespmem:s16], [sflag:$0x1], $0x800, s9, s8, $0x38;
	[tilespmem:$0x3180] =	vst v63  }
0x1ab: {  	_ =	swait.ge [sflag:s10], $0x800  }
0x1ac: {  	[sflag:s10] =	ssyncset.done $0x0  }
0x1ad: {  	[sflag:s10] =	ssyncadd.s32 $0xFFFFF800  }
0x1ae: {  	_ =	sfence.sel $0x180000  }
0x1af: {  	[bflag:$0x0] =	sbarrier.arrive $0xFFFF  }
0x1b0: {  	p0 =	sne.s32 s1, $0x0;
	_ =	strace $0x90000047  }
0x1b1: {  	s0 =	sadd.s32 @!p0 $0x100000, s0;
	[bflag:$0x2] =	sbarrier.arrive $0xFFFF  }
0x1b2: {  	[sflag:s0] =	ssyncadd.tile.s32 @!p0 $0x1;
	_ =	shalt  }
.Lfunc_end2:
_tile_overlayer_lowered:
.L_overlay_start_2:
0x1b3: {  	(tag) =	ssettag $0x2  }
0x1b4: {  	s0 =	rddreg [dreg:$0x0];
	s2 =	stileid.u32  }
0x1b5: {  	s1 =	rddreg [dreg:$0x1];
	p0 =	sne.s32 s2, $0x0  }
0x1b6: {  	s3 =	rddreg [dreg:$0x2];
	[bflag:$0x3] =	sbarrier.arrive $0xFFFF;
	s2 =	simm.s32 @!p0 $0x1C01  }
0x1b7: {  	[timem:s3], [sflag:s2] =	dma.local @!p0 [hbm:s0], s1  }
0x1b8: {  	s0 =	simm.s32 @!p0 $0x1  }
0x1b9: {  	_ =	swait.ge @!p0 [sflag:s0], s1  }
0x1ba: {  	s1 =	ssub.s32 @!p0 $0x0, s1;
	[sflag:s0] =	ssyncset.done @!p0 $0x0  }
0x1bb: {  	[sflag:s0] =	ssyncadd.s32 @!p0 s1  }
0x1bc: {  	[bflag:$0x3] =	sbarrier.arrive $0xFFFF  }
0x1bd: {  	_ =	shalt  }

</sc_bundles>
